<compile_context>
chip_gen: v7x
topology: tpu7x:2x2x1
jax: 0.10.2.dev20260603
libtpu: 0.0.44.dev20260713+nightly
codegen_flags: <defaults>
</compile_context>

<pallas_src>
import functools

import jax
import jax.numpy as jnp
from jax import lax
from jax.experimental import pallas as pl
from jax.experimental.pallas import tpu as pltpu, tpu_sc as plsc

WIDTH = 1024
TOTAL_ROWS = 4 * 4096
SC_ROWS = 8192
TC_ROWS = TOTAL_ROWS - SC_ROWS

_info = plsc.get_sparse_core_info()
_NC, _NS = _info.num_cores, _info.num_subcores
NUM_WORKERS = _NC * _NS
ROWS_PER_WORKER = SC_ROWS // NUM_WORKERS
GROUP = 16
NUM_GROUPS = ROWS_PER_WORKER // GROUP

_mesh = plsc.VectorSubcoreMesh(core_axis_name="c", subcore_axis_name="s")


@functools.partial(
    pl.kernel,
    mesh=_mesh,
    out_type=jax.ShapeDtypeStruct((TOTAL_ROWS, WIDTH), jnp.float32),
    scratch_types=[
        pltpu.VMEM((2, WIDTH), jnp.float32),
        pltpu.VMEM((NUM_GROUPS, GROUP), jnp.int32),
        pltpu.VMEM((GROUP, WIDTH), jnp.float32),
        pltpu.SemaphoreType.DMA((2,)),
    ],
)
def _sc_lookup(ids_hbm, table_hbm, out_hbm, table_v, idx_v, drain_v, sem):
    wid = lax.axis_index("s") * _NC + lax.axis_index("c")
    base = TC_ROWS + wid * ROWS_PER_WORKER

    pltpu.sync_copy(ids_hbm.at[wid], idx_v)
    pltpu.sync_copy(table_hbm, table_v)

    def drain_group(par):
        pltpu.make_async_copy(
            out_hbm.at[pl.ds(base, GROUP)], drain_v, sem.at[par]).wait()

    def group_step(g, _):
        par = lax.rem(g, 2)

        @pl.when(g >= 2)
        def _wait():
            drain_group(par)

        idv = idx_v[g, pl.ds(0, GROUP)]
        for r in range(GROUP):
            rid = idv[r]
            pltpu.async_copy(
                table_v.at[pl.ds(rid, 1)],
                out_hbm.at[pl.ds(base + g * GROUP + r, 1)],
                sem.at[par])
        return _

    lax.fori_loop(0, NUM_GROUPS, group_step, None)

    drain_group(0)
    drain_group(1)


TC_BLOCK = 512


def _tc_body(ids_ref, table_ref, partial_ref, out_ref):
    del partial_ref
    ids = ids_ref[...]
    t0 = table_ref[0:1, :]
    t1 = table_ref[1:2, :]
    out_ref[...] = jnp.where(ids == 0, t0, t1)


_tc_fill = pl.pallas_call(
    _tc_body,
    grid=(TC_ROWS // TC_BLOCK,),
    in_specs=[
        pl.BlockSpec((TC_BLOCK, 1), lambda i: (i, 0)),
        pl.BlockSpec((2, WIDTH), lambda i: (0, 0)),
        pl.BlockSpec(memory_space=pl.ANY),
    ],
    out_specs=pl.BlockSpec((TC_BLOCK, WIDTH), lambda i: (i, 0)),
    out_shape=jax.ShapeDtypeStruct((TOTAL_ROWS, WIDTH), jnp.float32),
    input_output_aliases={2: 0},
    compiler_params=pltpu.CompilerParams(
        dimension_semantics=("arbitrary",)),
)


def kernel(token_type_ids, token_type_table):
    ids = token_type_ids.reshape(-1).astype(jnp.int32)
    sc_ids = ids[TC_ROWS:].reshape(NUM_WORKERS, NUM_GROUPS, GROUP)
    tc_ids = ids[:TC_ROWS].reshape(TC_ROWS, 1)
    sc_full = _sc_lookup(sc_ids, token_type_table)
    return _tc_fill(tc_ids, token_type_table, sc_full)

# --- scband reference (transcript-rebuilt; emitter-appended) ---
"""Pipeline reference for scband-token-type-encoding-30348238913699 (READ-ONLY COPY).

The authoritative reference and input builder live on the scoring server;
editing this copy changes nothing except your own understanding.
"""

import jax, jax.numpy as jnp
import numpy as np

SEQ_LEN = 4096
BATCH = 4
WIDTH = 1024
TYPE_VOCAB = 2
INIT_RANGE = 0.02


def setup_inputs(seed: int = 0) -> dict:
    key = jax.random.key(seed)
    k1, k2 = jax.random.split(key)
    token_type_ids = jax.random.randint(k1, (BATCH, SEQ_LEN), 0, TYPE_VOCAB, dtype=jnp.int64 if jax.config.jax_enable_x64 else jnp.int32)
    # truncated-normal-ish initializer for the token type table
    token_type_table = (jax.random.truncated_normal(k2, -2.0, 2.0, (TYPE_VOCAB, WIDTH), dtype=jnp.float32) * INIT_RANGE)
    return {"token_type_ids": token_type_ids, "token_type_table": token_type_table}


def reference(token_type_ids, token_type_table):
    # Faithful translation of TokenTypeEncoding.__call__ (one-hot matmul lookup)
    flat_token_type_ids = jnp.reshape(token_type_ids, (-1,))
    one_hot_ids = jax.nn.one_hot(flat_token_type_ids, TYPE_VOCAB, dtype=token_type_table.dtype)
    token_type_embeddings = jnp.matmul(one_hot_ids, token_type_table)
    return token_type_embeddings

if __name__ == "__main__":
    import jax
    _d = setup_inputs()
    print(jax.jit(kernel)(*tuple(_d.values())))

</pallas_src>

<mosaic_0001>
#map = affine_map<(d0, d1) -> (0, 0, 0)>
#map1 = affine_map<(d0, d1) -> (0, 0)>
module attributes {stable_mosaic.version = 14 : i64} {
  func.func @_sc_lookup(%arg0: i32, %arg1: i32, %arg2: memref<32x16x16xi32, #tpu.memory_space<hbm>>, %arg3: memref<2x1024xf32, #tpu.memory_space<hbm>>, %arg4: memref<16384x1024xf32, #tpu.memory_space<hbm>>, %arg5: memref<2x1024xf32, #tpu.memory_space<vmem>>, %arg6: memref<16x16xi32, #tpu.memory_space<vmem>>, %arg7: memref<16x1024xf32, #tpu.memory_space<vmem>>, %arg8: memref<2x!tpu.dma_semaphore, #tpu.memory_space<semaphore_mem>>) attributes {dimension_semantics = [#tpu.dimension_semantics<core_parallel>, #tpu.dimension_semantics<subcore_parallel>], iteration_bounds = array<i64: 2, 16>, scalar_prefetch = 0 : i64, scratch_operands = 4 : i64, tpu.core_type = #tpu.core_type<sc_vector_subcore>, window_params = [{transform_indices = #map}, {transform_indices = #map1}, {transform_indices = #map1}]} {
    %mul3A = arith.constant 2 : i32
    %mul3A_0 = arith.muli %arg1, %mul3A : i32
    %add3A = arith.addi %mul3A_0, %arg0 : i32
    %mul3A_1 = arith.constant 256 : i32
    %mul3A_2 = arith.muli %add3A, %mul3A_1 : i32
    %add3A_3 = arith.constant 8192 : i32
    %add3A_4 = arith.addi %add3A_3, %mul3A_2 : i32
    "tpu.region"() ({
      %run_scoped3A = tpu.sem_alloc : memref<!tpu.dma_semaphore, #tpu.memory_space<semaphore_mem>>
      %dma_start3A = arith.constant 0 : i32
      %dma_start3A_22 = arith.constant 0 : i32
      %dma_start3A_23 = tpu.memref_slice %arg2[%add3A, %dma_start3A, %dma_start3A_22] : memref<32x16x16xi32, #tpu.memory_space<hbm>> -> memref<1x16x16xi32, #tpu.memory_space<hbm>>
      %dma_start3A_24 = tpu.memref_squeeze %dma_start3A_23 : memref<1x16x16xi32, #tpu.memory_space<hbm>> -> memref<16x16xi32, #tpu.memory_space<hbm>>
      %dma_start3A_25 = arith.constant 0 : i32
      %dma_start3A_26 = arith.constant 0 : i32
      %dma_start3A_27 = tpu.memref_slice %arg2[%add3A, %dma_start3A_25, %dma_start3A_26] : memref<32x16x16xi32, #tpu.memory_space<hbm>> -> memref<1x16x16xi32, #tpu.memory_space<hbm>>
      %dma_start3A_28 = tpu.memref_squeeze %dma_start3A_27 : memref<1x16x16xi32, #tpu.memory_space<hbm>> -> memref<16x16xi32, #tpu.memory_space<hbm>>
      tpu.enqueue_dma source(%dma_start3A_28 : memref<16x16xi32, #tpu.memory_space<hbm>>) target(%arg6 : memref<16x16xi32, #tpu.memory_space<vmem>>) target_semaphore(%run_scoped3A : memref<!tpu.dma_semaphore, #tpu.memory_space<semaphore_mem>>)
      %dma_wait3A_29 = arith.constant 0 : i32
      %dma_wait3A_30 = arith.constant 0 : i32
      %dma_wait3A_31 = tpu.memref_slice %arg2[%add3A, %dma_wait3A_29, %dma_wait3A_30] : memref<32x16x16xi32, #tpu.memory_space<hbm>> -> memref<1x16x16xi32, #tpu.memory_space<hbm>>
      %dma_wait3A_32 = tpu.memref_squeeze %dma_wait3A_31 : memref<1x16x16xi32, #tpu.memory_space<hbm>> -> memref<16x16xi32, #tpu.memory_space<hbm>>
      %dma_wait3A_33 = arith.constant 0 : i32
      %dma_wait3A_34 = arith.constant 0 : i32
      %dma_wait3A_35 = tpu.memref_slice %arg2[%add3A, %dma_wait3A_33, %dma_wait3A_34] : memref<32x16x16xi32, #tpu.memory_space<hbm>> -> memref<1x16x16xi32, #tpu.memory_space<hbm>>
      %dma_wait3A_36 = tpu.memref_squeeze %dma_wait3A_35 : memref<1x16x16xi32, #tpu.memory_space<hbm>> -> memref<16x16xi32, #tpu.memory_space<hbm>>
      tpu.wait_dma2 semaphore(%run_scoped3A : memref<!tpu.dma_semaphore, #tpu.memory_space<semaphore_mem>>) src(%dma_wait3A_36 : memref<16x16xi32, #tpu.memory_space<hbm>>) dst(%arg6 : memref<16x16xi32, #tpu.memory_space<vmem>>)
      tpu.yield
    }) : () -> ()
    "tpu.region"() ({
      %run_scoped3A = tpu.sem_alloc : memref<!tpu.dma_semaphore, #tpu.memory_space<semaphore_mem>>
      tpu.enqueue_dma source(%arg3 : memref<2x1024xf32, #tpu.memory_space<hbm>>) target(%arg5 : memref<2x1024xf32, #tpu.memory_space<vmem>>) target_semaphore(%run_scoped3A : memref<!tpu.dma_semaphore, #tpu.memory_space<semaphore_mem>>)
      tpu.wait_dma2 semaphore(%run_scoped3A : memref<!tpu.dma_semaphore, #tpu.memory_space<semaphore_mem>>) src(%arg3 : memref<2x1024xf32, #tpu.memory_space<hbm>>) dst(%arg5 : memref<2x1024xf32, #tpu.memory_space<vmem>>)
      tpu.yield
    }) : () -> ()
    %scan3A = arith.constant 0 : i32
    %scan3A_5 = arith.constant 16 : i32
    %scan3A_6 = arith.addi %scan3A, %scan3A_5 : i32
    %scan3A_7 = arith.constant 1 : i32
    scf.for %scan3A_22 = %scan3A to %scan3A_6 step %scan3A_7  : i32 {
      %rem3A = arith.constant 2 : i32
      %rem3A_23 = arith.remsi %scan3A_22, %rem3A : i32
      %ge3A = arith.constant 2 : i32
      %ge3A_24 = arith.cmpi sge, %scan3A_22, %ge3A : i32
      %convert_element_type3A = arith.extui %ge3A_24 : i1 to i32
      %cond3A = arith.constant 0 : i32
      %cond3A_25 = arith.cmpi ne, %convert_element_type3A, %cond3A : i32
      scf.if %cond3A_25 {
        %dma_wait3A_298 = arith.constant 0 : i32
        %dma_wait3A_299 = tpu.memref_slice %arg4[%add3A_4, %dma_wait3A_298] : memref<16384x1024xf32, #tpu.memory_space<hbm>> -> memref<16x1024xf32, #tpu.memory_space<hbm>>
        %dma_wait3A_300 = tpu.memref_slice %arg8[%rem3A_23] : memref<2x!tpu.dma_semaphore, #tpu.memory_space<semaphore_mem>> -> memref<1x!tpu.dma_semaphore, #tpu.memory_space<semaphore_mem>>
        %dma_wait3A_301 = tpu.memref_squeeze %dma_wait3A_300 : memref<1x!tpu.dma_semaphore, #tpu.memory_space<semaphore_mem>> -> memref<!tpu.dma_semaphore, #tpu.memory_space<semaphore_mem>>
        %dma_wait3A_302 = arith.constant 0 : i32
        %dma_wait3A_303 = tpu.memref_slice %arg4[%add3A_4, %dma_wait3A_302] : memref<16384x1024xf32, #tpu.memory_space<hbm>> -> memref<16x1024xf32, #tpu.memory_space<hbm>>
        tpu.wait_dma2 semaphore(%dma_wait3A_301 : memref<!tpu.dma_semaphore, #tpu.memory_space<semaphore_mem>>) src(%dma_wait3A_303 : memref<16x1024xf32, #tpu.memory_space<hbm>>) dst(%arg7 : memref<16x1024xf32, #tpu.memory_space<vmem>>)
      } else {
      }
      %get3A = arith.index_cast %scan3A_22 : i32 to index
      %get3A_26 = arith.constant 0 : index
      %get3A_27 = tpu.vector_load %arg6[%get3A, %get3A_26] {strides = array<i32>} : memref<16x16xi32, #tpu.memory_space<vmem>>, vector<1x16xi32>,
      %get3A_28 = vector.shape_cast %get3A_27 : vector<1x16xi32> to vector<16xi32>
      %slice3A = vector.extract_strided_slice %get3A_28 {offsets = [0], sizes = [1], strides = [1]} : vector<16xi32> to vector<1xi32>
      %squeeze3A = vector.extract %slice3A[0] : i32 from vector<1xi32>
      %mul3A_29 = arith.constant 16 : i32
      %mul3A_30 = arith.muli %scan3A_22, %mul3A_29 : i32
      %add3A_31 = arith.addi %add3A_4, %mul3A_30 : i32
      %add3A_32 = arith.constant 0 : i32
      %add3A_33 = arith.addi %add3A_31, %add3A_32 : i32
      %dma_start3A = arith.constant 0 : i32
      %dma_start3A_34 = tpu.memref_slice %arg5[%squeeze3A, %dma_start3A] : memref<2x1024xf32, #tpu.memory_space<vmem>> -> memref<1x1024xf32, #tpu.memory_space<vmem>>
      %dma_start3A_35 = arith.constant 0 : i32
      %dma_start3A_36 = tpu.memref_slice %arg4[%add3A_33, %dma_start3A_35] : memref<16384x1024xf32, #tpu.memory_space<hbm>> -> memref<1x1024xf32, #tpu.memory_space<hbm>>
      %dma_start3A_37 = tpu.memref_slice %arg8[%rem3A_23] : memref<2x!tpu.dma_semaphore, #tpu.memory_space<semaphore_mem>> -> memref<1x!tpu.dma_semaphore, #tpu.memory_space<semaphore_mem>>
      %dma_start3A_38 = tpu.memref_squeeze %dma_start3A_37 : memref<1x!tpu.dma_semaphore, #tpu.memory_space<semaphore_mem>> -> memref<!tpu.dma_semaphore, #tpu.memory_space<semaphore_mem>>
      %dma_start3A_39 = arith.constant 0 : i32
      %dma_start3A_40 = tpu.memref_slice %arg4[%add3A_33, %dma_start3A_39] : memref<16384x1024xf32, #tpu.memory_space<hbm>> -> memref<1x1024xf32, #tpu.memory_space<hbm>>
      %dma_start3A_41 = arith.constant 0 : i32
      %dma_start3A_42 = tpu.memref_slice %arg5[%squeeze3A, %dma_start3A_41] : memref<2x1024xf32, #tpu.memory_space<vmem>> -> memref<1x1024xf32, #tpu.memory_space<vmem>>
      tpu.enqueue_dma source(%dma_start3A_42 : memref<1x1024xf32, #tpu.memory_space<vmem>>) target(%dma_start3A_40 : memref<1x1024xf32, #tpu.memory_space<hbm>>) target_semaphore(%dma_start3A_38 : memref<!tpu.dma_semaphore, #tpu.memory_space<semaphore_mem>>)
      %slice3A_43 = vector.extract_strided_slice %get3A_28 {offsets = [1], sizes = [1], strides = [1]} : vector<16xi32> to vector<1xi32>
      %squeeze3A_44 = vector.extract %slice3A_43[0] : i32 from vector<1xi32>
      %mul3A_45 = arith.constant 16 : i32
      %mul3A_46 = arith.muli %scan3A_22, %mul3A_45 : i32
      %add3A_47 = arith.addi %add3A_4, %mul3A_46 : i32
      %add3A_48 = arith.constant 1 : i32
      %add3A_49 = arith.addi %add3A_47, %add3A_48 : i32
      %dma_start3A_50 = arith.constant 0 : i32
      %dma_start3A_51 = tpu.memref_slice %arg5[%squeeze3A_44, %dma_start3A_50] : memref<2x1024xf32, #tpu.memory_space<vmem>> -> memref<1x1024xf32, #tpu.memory_space<vmem>>
      %dma_start3A_52 = arith.constant 0 : i32
      %dma_start3A_53 = tpu.memref_slice %arg4[%add3A_49, %dma_start3A_52] : memref<16384x1024xf32, #tpu.memory_space<hbm>> -> memref<1x1024xf32, #tpu.memory_space<hbm>>
      %dma_start3A_54 = tpu.memref_slice %arg8[%rem3A_23] : memref<2x!tpu.dma_semaphore, #tpu.memory_space<semaphore_mem>> -> memref<1x!tpu.dma_semaphore, #tpu.memory_space<semaphore_mem>>
      %dma_start3A_55 = tpu.memref_squeeze %dma_start3A_54 : memref<1x!tpu.dma_semaphore, #tpu.memory_space<semaphore_mem>> -> memref<!tpu.dma_semaphore, #tpu.memory_space<semaphore_mem>>
      %dma_start3A_56 = arith.constant 0 : i32
      %dma_start3A_57 = tpu.memref_slice %arg4[%add3A_49, %dma_start3A_56] : memref<16384x1024xf32, #tpu.memory_space<hbm>> -> memref<1x1024xf32, #tpu.memory_space<hbm>>
      %dma_start3A_58 = arith.constant 0 : i32
      %dma_start3A_59 = tpu.memref_slice %arg5[%squeeze3A_44, %dma_start3A_58] : memref<2x1024xf32, #tpu.memory_space<vmem>> -> memref<1x1024xf32, #tpu.memory_space<vmem>>
      tpu.enqueue_dma source(%dma_start3A_59 : memref<1x1024xf32, #tpu.memory_space<vmem>>) target(%dma_start3A_57 : memref<1x1024xf32, #tpu.memory_space<hbm>>) target_semaphore(%dma_start3A_55 : memref<!tpu.dma_semaphore, #tpu.memory_space<semaphore_mem>>)
      %slice3A_60 = vector.extract_strided_slice %get3A_28 {offsets = [2], sizes = [1], strides = [1]} : vector<16xi32> to vector<1xi32>
      %squeeze3A_61 = vector.extract %slice3A_60[0] : i32 from vector<1xi32>
      %mul3A_62 = arith.constant 16 : i32
      %mul3A_63 = arith.muli %scan3A_22, %mul3A_62 : i32
      %add3A_64 = arith.addi %add3A_4, %mul3A_63 : i32
      %add3A_65 = arith.constant 2 : i32
      %add3A_66 = arith.addi %add3A_64, %add3A_65 : i32
      %dma_start3A_67 = arith.constant 0 : i32
      %dma_start3A_68 = tpu.memref_slice %arg5[%squeeze3A_61, %dma_start3A_67] : memref<2x1024xf32, #tpu.memory_space<vmem>> -> memref<1x1024xf32, #tpu.memory_space<vmem>>
      %dma_start3A_69 = arith.constant 0 : i32
      %dma_start3A_70 = tpu.memref_slice %arg4[%add3A_66, %dma_start3A_69] : memref<16384x1024xf32, #tpu.memory_space<hbm>> -> memref<1x1024xf32, #tpu.memory_space<hbm>>
      %dma_start3A_71 = tpu.memref_slice %arg8[%rem3A_23] : memref<2x!tpu.dma_semaphore, #tpu.memory_space<semaphore_mem>> -> memref<1x!tpu.dma_semaphore, #tpu.memory_space<semaphore_mem>>
      %dma_start3A_72 = tpu.memref_squeeze %dma_start3A_71 : memref<1x!tpu.dma_semaphore, #tpu.memory_space<semaphore_mem>> -> memref<!tpu.dma_semaphore, #tpu.memory_space<semaphore_mem>>
      %dma_start3A_73 = arith.constant 0 : i32
      %dma_start3A_74 = tpu.memref_slice %arg4[%add3A_66, %dma_start3A_73] : memref<16384x1024xf32, #tpu.memory_space<hbm>> -> memref<1x1024xf32, #tpu.memory_space<hbm>>
      %dma_start3A_75 = arith.constant 0 : i32
      %dma_start3A_76 = tpu.memref_slice %arg5[%squeeze3A_61, %dma_start3A_75] : memref<2x1024xf32, #tpu.memory_space<vmem>> -> memref<1x1024xf32, #tpu.memory_space<vmem>>
      tpu.enqueue_dma source(%dma_start3A_76 : memref<1x1024xf32, #tpu.memory_space<vmem>>) target(%dma_start3A_74 : memref<1x1024xf32, #tpu.memory_space<hbm>>) target_semaphore(%dma_start3A_72 : memref<!tpu.dma_semaphore, #tpu.memory_space<semaphore_mem>>)
      %slice3A_77 = vector.extract_strided_slice %get3A_28 {offsets = [3], sizes = [1], strides = [1]} : vector<16xi32> to vector<1xi32>
      %squeeze3A_78 = vector.extract %slice3A_77[0] : i32 from vector<1xi32>
      %mul3A_79 = arith.constant 16 : i32
      %mul3A_80 = arith.muli %scan3A_22, %mul3A_79 : i32
      %add3A_81 = arith.addi %add3A_4, %mul3A_80 : i32
      %add3A_82 = arith.constant 3 : i32
      %add3A_83 = arith.addi %add3A_81, %add3A_82 : i32
      %dma_start3A_84 = arith.constant 0 : i32
      %dma_start3A_85 = tpu.memref_slice %arg5[%squeeze3A_78, %dma_start3A_84] : memref<2x1024xf32, #tpu.memory_space<vmem>> -> memref<1x1024xf32, #tpu.memory_space<vmem>>
      %dma_start3A_86 = arith.constant 0 : i32
      %dma_start3A_87 = tpu.memref_slice %arg4[%add3A_83, %dma_start3A_86] : memref<16384x1024xf32, #tpu.memory_space<hbm>> -> memref<1x1024xf32, #tpu.memory_space<hbm>>
      %dma_start3A_88 = tpu.memref_slice %arg8[%rem3A_23] : memref<2x!tpu.dma_semaphore, #tpu.memory_space<semaphore_mem>> -> memref<1x!tpu.dma_semaphore, #tpu.memory_space<semaphore_mem>>
      %dma_start3A_89 = tpu.memref_squeeze %dma_start3A_88 : memref<1x!tpu.dma_semaphore, #tpu.memory_space<semaphore_mem>> -> memref<!tpu.dma_semaphore, #tpu.memory_space<semaphore_mem>>
      %dma_start3A_90 = arith.constant 0 : i32
      %dma_start3A_91 = tpu.memref_slice %arg4[%add3A_83, %dma_start3A_90] : memref<16384x1024xf32, #tpu.memory_space<hbm>> -> memref<1x1024xf32, #tpu.memory_space<hbm>>
      %dma_start3A_92 = arith.constant 0 : i32
      %dma_start3A_93 = tpu.memref_slice %arg5[%squeeze3A_78, %dma_start3A_92] : memref<2x1024xf32, #tpu.memory_space<vmem>> -> memref<1x1024xf32, #tpu.memory_space<vmem>>
      tpu.enqueue_dma source(%dma_start3A_93 : memref<1x1024xf32, #tpu.memory_space<vmem>>) target(%dma_start3A_91 : memref<1x1024xf32, #tpu.memory_space<hbm>>) target_semaphore(%dma_start3A_89 : memref<!tpu.dma_semaphore, #tpu.memory_space<semaphore_mem>>)
      %slice3A_94 = vector.extract_strided_slice %get3A_28 {offsets = [4], sizes = [1], strides = [1]} : vector<16xi32> to vector<1xi32>
      %squeeze3A_95 = vector.extract %slice3A_94[0] : i32 from vector<1xi32>
      %mul3A_96 = arith.constant 16 : i32
      %mul3A_97 = arith.muli %scan3A_22, %mul3A_96 : i32
      %add3A_98 = arith.addi %add3A_4, %mul3A_97 : i32
      %add3A_99 = arith.constant 4 : i32
      %add3A_100 = arith.addi %add3A_98, %add3A_99 : i32
      %dma_start3A_101 = arith.constant 0 : i32
      %dma_start3A_102 = tpu.memref_slice %arg5[%squeeze3A_95, %dma_start3A_101] : memref<2x1024xf32, #tpu.memory_space<vmem>> -> memref<1x1024xf32, #tpu.memory_space<vmem>>
      %dma_start3A_103 = arith.constant 0 : i32
      %dma_start3A_104 = tpu.memref_slice %arg4[%add3A_100, %dma_start3A_103] : memref<16384x1024xf32, #tpu.memory_space<hbm>> -> memref<1x1024xf32, #tpu.memory_space<hbm>>
      %dma_start3A_105 = tpu.memref_slice %arg8[%rem3A_23] : memref<2x!tpu.dma_semaphore, #tpu.memory_space<semaphore_mem>> -> memref<1x!tpu.dma_semaphore, #tpu.memory_space<semaphore_mem>>
      %dma_start3A_106 = tpu.memref_squeeze %dma_start3A_105 : memref<1x!tpu.dma_semaphore, #tpu.memory_space<semaphore_mem>> -> memref<!tpu.dma_semaphore, #tpu.memory_space<semaphore_mem>>
      %dma_start3A_107 = arith.constant 0 : i32
      %dma_start3A_108 = tpu.memref_slice %arg4[%add3A_100, %dma_start3A_107] : memref<16384x1024xf32, #tpu.memory_space<hbm>> -> memref<1x1024xf32, #tpu.memory_space<hbm>>
      %dma_start3A_109 = arith.constant 0 : i32
      %dma_start3A_110 = tpu.memref_slice %arg5[%squeeze3A_95, %dma_start3A_109] : memref<2x1024xf32, #tpu.memory_space<vmem>> -> memref<1x1024xf32, #tpu.memory_space<vmem>>
      tpu.enqueue_dma source(%dma_start3A_110 : memref<1x1024xf32, #tpu.memory_space<vmem>>) target(%dma_start3A_108 : memref<1x1024xf32, #tpu.memory_space<hbm>>) target_semaphore(%dma_start3A_106 : memref<!tpu.dma_semaphore, #tpu.memory_space<semaphore_mem>>)
      %slice3A_111 = vector.extract_strided_slice %get3A_28 {offsets = [5], sizes = [1], strides = [1]} : vector<16xi32> to vector<1xi32>
      %squeeze3A_112 = vector.extract %slice3A_111[0] : i32 from vector<1xi32>
      %mul3A_113 = arith.constant 16 : i32
      %mul3A_114 = arith.muli %scan3A_22, %mul3A_113 : i32
      %add3A_115 = arith.addi %add3A_4, %mul3A_114 : i32
      %add3A_116 = arith.constant 5 : i32
      %add3A_117 = arith.addi %add3A_115, %add3A_116 : i32
      %dma_start3A_118 = arith.constant 0 : i32
      %dma_start3A_119 = tpu.memref_slice %arg5[%squeeze3A_112, %dma_start3A_118] : memref<2x1024xf32, #tpu.memory_space<vmem>> -> memref<1x1024xf32, #tpu.memory_space<vmem>>
      %dma_start3A_120 = arith.constant 0 : i32
      %dma_start3A_121 = tpu.memref_slice %arg4[%add3A_117, %dma_start3A_120] : memref<16384x1024xf32, #tpu.memory_space<hbm>> -> memref<1x1024xf32, #tpu.memory_space<hbm>>
      %dma_start3A_122 = tpu.memref_slice %arg8[%rem3A_23] : memref<2x!tpu.dma_semaphore, #tpu.memory_space<semaphore_mem>> -> memref<1x!tpu.dma_semaphore, #tpu.memory_space<semaphore_mem>>
      %dma_start3A_123 = tpu.memref_squeeze %dma_start3A_122 : memref<1x!tpu.dma_semaphore, #tpu.memory_space<semaphore_mem>> -> memref<!tpu.dma_semaphore, #tpu.memory_space<semaphore_mem>>
      %dma_start3A_124 = arith.constant 0 : i32
      %dma_start3A_125 = tpu.memref_slice %arg4[%add3A_117, %dma_start3A_124] : memref<16384x1024xf32, #tpu.memory_space<hbm>> -> memref<1x1024xf32, #tpu.memory_space<hbm>>
      %dma_start3A_126 = arith.constant 0 : i32
      %dma_start3A_127 = tpu.memref_slice %arg5[%squeeze3A_112, %dma_start3A_126] : memref<2x1024xf32, #tpu.memory_space<vmem>> -> memref<1x1024xf32, #tpu.memory_space<vmem>>
      tpu.enqueue_dma source(%dma_start3A_127 : memref<1x1024xf32, #tpu.memory_space<vmem>>) target(%dma_start3A_125 : memref<1x1024xf32, #tpu.memory_space<hbm>>) target_semaphore(%dma_start3A_123 : memref<!tpu.dma_semaphore, #tpu.memory_space<semaphore_mem>>)
      %slice3A_128 = vector.extract_strided_slice %get3A_28 {offsets = [6], sizes = [1], strides = [1]} : vector<16xi32> to vector<1xi32>
      %squeeze3A_129 = vector.extract %slice3A_128[0] : i32 from vector<1xi32>
      %mul3A_130 = arith.constant 16 : i32
      %mul3A_131 = arith.muli %scan3A_22, %mul3A_130 : i32
      %add3A_132 = arith.addi %add3A_4, %mul3A_131 : i32
      %add3A_133 = arith.constant 6 : i32
      %add3A_134 = arith.addi %add3A_132, %add3A_133 : i32
      %dma_start3A_135 = arith.constant 0 : i32
      %dma_start3A_136 = tpu.memref_slice %arg5[%squeeze3A_129, %dma_start3A_135] : memref<2x1024xf32, #tpu.memory_space<vmem>> -> memref<1x1024xf32, #tpu.memory_space<vmem>>
      %dma_start3A_137 = arith.constant 0 : i32
      %dma_start3A_138 = tpu.memref_slice %arg4[%add3A_134, %dma_start3A_137] : memref<16384x1024xf32, #tpu.memory_space<hbm>> -> memref<1x1024xf32, #tpu.memory_space<hbm>>
      %dma_start3A_139 = tpu.memref_slice %arg8[%rem3A_23] : memref<2x!tpu.dma_semaphore, #tpu.memory_space<semaphore_mem>> -> memref<1x!tpu.dma_semaphore, #tpu.memory_space<semaphore_mem>>
      %dma_start3A_140 = tpu.memref_squeeze %dma_start3A_139 : memref<1x!tpu.dma_semaphore, #tpu.memory_space<semaphore_mem>> -> memref<!tpu.dma_semaphore, #tpu.memory_space<semaphore_mem>>
      %dma_start3A_141 = arith.constant 0 : i32
      %dma_start3A_142 = tpu.memref_slice %arg4[%add3A_134, %dma_start3A_141] : memref<16384x1024xf32, #tpu.memory_space<hbm>> -> memref<1x1024xf32, #tpu.memory_space<hbm>>
      %dma_start3A_143 = arith.constant 0 : i32
      %dma_start3A_144 = tpu.memref_slice %arg5[%squeeze3A_129, %dma_start3A_143] : memref<2x1024xf32, #tpu.memory_space<vmem>> -> memref<1x1024xf32, #tpu.memory_space<vmem>>
      tpu.enqueue_dma source(%dma_start3A_144 : memref<1x1024xf32, #tpu.memory_space<vmem>>) target(%dma_start3A_142 : memref<1x1024xf32, #tpu.memory_space<hbm>>) target_semaphore(%dma_start3A_140 : memref<!tpu.dma_semaphore, #tpu.memory_space<semaphore_mem>>)
      %slice3A_145 = vector.extract_strided_slice %get3A_28 {offsets = [7], sizes = [1], strides = [1]} : vector<16xi32> to vector<1xi32>
      %squeeze3A_146 = vector.extract %slice3A_145[0] : i32 from vector<1xi32>
      %mul3A_147 = arith.constant 16 : i32
      %mul3A_148 = arith.muli %scan3A_22, %mul3A_147 : i32
      %add3A_149 = arith.addi %add3A_4, %mul3A_148 : i32
      %add3A_150 = arith.constant 7 : i32
      %add3A_151 = arith.addi %add3A_149, %add3A_150 : i32
      %dma_start3A_152 = arith.constant 0 : i32
      %dma_start3A_153 = tpu.memref_slice %arg5[%squeeze3A_146, %dma_start3A_152] : memref<2x1024xf32, #tpu.memory_space<vmem>> -> memref<1x1024xf32, #tpu.memory_space<vmem>>
      %dma_start3A_154 = arith.constant 0 : i32
      %dma_start3A_155 = tpu.memref_slice %arg4[%add3A_151, %dma_start3A_154] : memref<16384x1024xf32, #tpu.memory_space<hbm>> -> memref<1x1024xf32, #tpu.memory_space<hbm>>
      %dma_start3A_156 = tpu.memref_slice %arg8[%rem3A_23] : memref<2x!tpu.dma_semaphore, #tpu.memory_space<semaphore_mem>> -> memref<1x!tpu.dma_semaphore, #tpu.memory_space<semaphore_mem>>
      %dma_start3A_157 = tpu.memref_squeeze %dma_start3A_156 : memref<1x!tpu.dma_semaphore, #tpu.memory_space<semaphore_mem>> -> memref<!tpu.dma_semaphore, #tpu.memory_space<semaphore_mem>>
      %dma_start3A_158 = arith.constant 0 : i32
      %dma_start3A_159 = tpu.memref_slice %arg4[%add3A_151, %dma_start3A_158] : memref<16384x1024xf32, #tpu.memory_space<hbm>> -> memref<1x1024xf32, #tpu.memory_space<hbm>>
      %dma_start3A_160 = arith.constant 0 : i32
      %dma_start3A_161 = tpu.memref_slice %arg5[%squeeze3A_146, %dma_start3A_160] : memref<2x1024xf32, #tpu.memory_space<vmem>> -> memref<1x1024xf32, #tpu.memory_space<vmem>>
      tpu.enqueue_dma source(%dma_start3A_161 : memref<1x1024xf32, #tpu.memory_space<vmem>>) target(%dma_start3A_159 : memref<1x1024xf32, #tpu.memory_space<hbm>>) target_semaphore(%dma_start3A_157 : memref<!tpu.dma_semaphore, #tpu.memory_space<semaphore_mem>>)
      %slice3A_162 = vector.extract_strided_slice %get3A_28 {offsets = [8], sizes = [1], strides = [1]} : vector<16xi32> to vector<1xi32>
      %squeeze3A_163 = vector.extract %slice3A_162[0] : i32 from vector<1xi32>
      %mul3A_164 = arith.constant 16 : i32
      %mul3A_165 = arith.muli %scan3A_22, %mul3A_164 : i32
      %add3A_166 = arith.addi %add3A_4, %mul3A_165 : i32
      %add3A_167 = arith.constant 8 : i32
      %add3A_168 = arith.addi %add3A_166, %add3A_167 : i32
      %dma_start3A_169 = arith.constant 0 : i32
      %dma_start3A_170 = tpu.memref_slice %arg5[%squeeze3A_163, %dma_start3A_169] : memref<2x1024xf32, #tpu.memory_space<vmem>> -> memref<1x1024xf32, #tpu.memory_space<vmem>>
      %dma_start3A_171 = arith.constant 0 : i32
      %dma_start3A_172 = tpu.memref_slice %arg4[%add3A_168, %dma_start3A_171] : memref<16384x1024xf32, #tpu.memory_space<hbm>> -> memref<1x1024xf32, #tpu.memory_space<hbm>>
      %dma_start3A_173 = tpu.memref_slice %arg8[%rem3A_23] : memref<2x!tpu.dma_semaphore, #tpu.memory_space<semaphore_mem>> -> memref<1x!tpu.dma_semaphore, #tpu.memory_space<semaphore_mem>>
      %dma_start3A_174 = tpu.memref_squeeze %dma_start3A_173 : memref<1x!tpu.dma_semaphore, #tpu.memory_space<semaphore_mem>> -> memref<!tpu.dma_semaphore, #tpu.memory_space<semaphore_mem>>
      %dma_start3A_175 = arith.constant 0 : i32
      %dma_start3A_176 = tpu.memref_slice %arg4[%add3A_168, %dma_start3A_175] : memref<16384x1024xf32, #tpu.memory_space<hbm>> -> memref<1x1024xf32, #tpu.memory_space<hbm>>
      %dma_start3A_177 = arith.constant 0 : i32
      %dma_start3A_178 = tpu.memref_slice %arg5[%squeeze3A_163, %dma_start3A_177] : memref<2x1024xf32, #tpu.memory_space<vmem>> -> memref<1x1024xf32, #tpu.memory_space<vmem>>
      tpu.enqueue_dma source(%dma_start3A_178 : memref<1x1024xf32, #tpu.memory_space<vmem>>) target(%dma_start3A_176 : memref<1x1024xf32, #tpu.memory_space<hbm>>) target_semaphore(%dma_start3A_174 : memref<!tpu.dma_semaphore, #tpu.memory_space<semaphore_mem>>)
      %slice3A_179 = vector.extract_strided_slice %get3A_28 {offsets = [9], sizes = [1], strides = [1]} : vector<16xi32> to vector<1xi32>
      %squeeze3A_180 = vector.extract %slice3A_179[0] : i32 from vector<1xi32>
      %mul3A_181 = arith.constant 16 : i32
      %mul3A_182 = arith.muli %scan3A_22, %mul3A_181 : i32
      %add3A_183 = arith.addi %add3A_4, %mul3A_182 : i32
      %add3A_184 = arith.constant 9 : i32
      %add3A_185 = arith.addi %add3A_183, %add3A_184 : i32
      %dma_start3A_186 = arith.constant 0 : i32
      %dma_start3A_187 = tpu.memref_slice %arg5[%squeeze3A_180, %dma_start3A_186] : memref<2x1024xf32, #tpu.memory_space<vmem>> -> memref<1x1024xf32, #tpu.memory_space<vmem>>
      %dma_start3A_188 = arith.constant 0 : i32
      %dma_start3A_189 = tpu.memref_slice %arg4[%add3A_185, %dma_start3A_188] : memref<16384x1024xf32, #tpu.memory_space<hbm>> -> memref<1x1024xf32, #tpu.memory_space<hbm>>
      %dma_start3A_190 = tpu.memref_slice %arg8[%rem3A_23] : memref<2x!tpu.dma_semaphore, #tpu.memory_space<semaphore_mem>> -> memref<1x!tpu.dma_semaphore, #tpu.memory_space<semaphore_mem>>
      %dma_start3A_191 = tpu.memref_squeeze %dma_start3A_190 : memref<1x!tpu.dma_semaphore, #tpu.memory_space<semaphore_mem>> -> memref<!tpu.dma_semaphore, #tpu.memory_space<semaphore_mem>>
      %dma_start3A_192 = arith.constant 0 : i32
      %dma_start3A_193 = tpu.memref_slice %arg4[%add3A_185, %dma_start3A_192] : memref<16384x1024xf32, #tpu.memory_space<hbm>> -> memref<1x1024xf32, #tpu.memory_space<hbm>>
      %dma_start3A_194 = arith.constant 0 : i32
      %dma_start3A_195 = tpu.memref_slice %arg5[%squeeze3A_180, %dma_start3A_194] : memref<2x1024xf32, #tpu.memory_space<vmem>> -> memref<1x1024xf32, #tpu.memory_space<vmem>>
      tpu.enqueue_dma source(%dma_start3A_195 : memref<1x1024xf32, #tpu.memory_space<vmem>>) target(%dma_start3A_193 : memref<1x1024xf32, #tpu.memory_space<hbm>>) target_semaphore(%dma_start3A_191 : memref<!tpu.dma_semaphore, #tpu.memory_space<semaphore_mem>>)
      %slice3A_196 = vector.extract_strided_slice %get3A_28 {offsets = [10], sizes = [1], strides = [1]} : vector<16xi32> to vector<1xi32>
      %squeeze3A_197 = vector.extract %slice3A_196[0] : i32 from vector<1xi32>
      %mul3A_198 = arith.constant 16 : i32
      %mul3A_199 = arith.muli %scan3A_22, %mul3A_198 : i32
      %add3A_200 = arith.addi %add3A_4, %mul3A_199 : i32
      %add3A_201 = arith.constant 10 : i32
      %add3A_202 = arith.addi %add3A_200, %add3A_201 : i32
      %dma_start3A_203 = arith.constant 0 : i32
      %dma_start3A_204 = tpu.memref_slice %arg5[%squeeze3A_197, %dma_start3A_203] : memref<2x1024xf32, #tpu.memory_space<vmem>> -> memref<1x1024xf32, #tpu.memory_space<vmem>>
      %dma_start3A_205 = arith.constant 0 : i32
      %dma_start3A_206 = tpu.memref_slice %arg4[%add3A_202, %dma_start3A_205] : memref<16384x1024xf32, #tpu.memory_space<hbm>> -> memref<1x1024xf32, #tpu.memory_space<hbm>>
      %dma_start3A_207 = tpu.memref_slice %arg8[%rem3A_23] : memref<2x!tpu.dma_semaphore, #tpu.memory_space<semaphore_mem>> -> memref<1x!tpu.dma_semaphore, #tpu.memory_space<semaphore_mem>>
      %dma_start3A_208 = tpu.memref_squeeze %dma_start3A_207 : memref<1x!tpu.dma_semaphore, #tpu.memory_space<semaphore_mem>> -> memref<!tpu.dma_semaphore, #tpu.memory_space<semaphore_mem>>
      %dma_start3A_209 = arith.constant 0 : i32
      %dma_start3A_210 = tpu.memref_slice %arg4[%add3A_202, %dma_start3A_209] : memref<16384x1024xf32, #tpu.memory_space<hbm>> -> memref<1x1024xf32, #tpu.memory_space<hbm>>
      %dma_start3A_211 = arith.constant 0 : i32
      %dma_start3A_212 = tpu.memref_slice %arg5[%squeeze3A_197, %dma_start3A_211] : memref<2x1024xf32, #tpu.memory_space<vmem>> -> memref<1x1024xf32, #tpu.memory_space<vmem>>
      tpu.enqueue_dma source(%dma_start3A_212 : memref<1x1024xf32, #tpu.memory_space<vmem>>) target(%dma_start3A_210 : memref<1x1024xf32, #tpu.memory_space<hbm>>) target_semaphore(%dma_start3A_208 : memref<!tpu.dma_semaphore, #tpu.memory_space<semaphore_mem>>)
      %slice3A_213 = vector.extract_strided_slice %get3A_28 {offsets = [11], sizes = [1], strides = [1]} : vector<16xi32> to vector<1xi32>
      %squeeze3A_214 = vector.extract %slice3A_213[0] : i32 from vector<1xi32>
      %mul3A_215 = arith.constant 16 : i32
      %mul3A_216 = arith.muli %scan3A_22, %mul3A_215 : i32
      %add3A_217 = arith.addi %add3A_4, %mul3A_216 : i32
      %add3A_218 = arith.constant 11 : i32
      %add3A_219 = arith.addi %add3A_217, %add3A_218 : i32
      %dma_start3A_220 = arith.constant 0 : i32
      %dma_start3A_221 = tpu.memref_slice %arg5[%squeeze3A_214, %dma_start3A_220] : memref<2x1024xf32, #tpu.memory_space<vmem>> -> memref<1x1024xf32, #tpu.memory_space<vmem>>
      %dma_start3A_222 = arith.constant 0 : i32
      %dma_start3A_223 = tpu.memref_slice %arg4[%add3A_219, %dma_start3A_222] : memref<16384x1024xf32, #tpu.memory_space<hbm>> -> memref<1x1024xf32, #tpu.memory_space<hbm>>
      %dma_start3A_224 = tpu.memref_slice %arg8[%rem3A_23] : memref<2x!tpu.dma_semaphore, #tpu.memory_space<semaphore_mem>> -> memref<1x!tpu.dma_semaphore, #tpu.memory_space<semaphore_mem>>
      %dma_start3A_225 = tpu.memref_squeeze %dma_start3A_224 : memref<1x!tpu.dma_semaphore, #tpu.memory_space<semaphore_mem>> -> memref<!tpu.dma_semaphore, #tpu.memory_space<semaphore_mem>>
      %dma_start3A_226 = arith.constant 0 : i32
      %dma_start3A_227 = tpu.memref_slice %arg4[%add3A_219, %dma_start3A_226] : memref<16384x1024xf32, #tpu.memory_space<hbm>> -> memref<1x1024xf32, #tpu.memory_space<hbm>>
      %dma_start3A_228 = arith.constant 0 : i32
      %dma_start3A_229 = tpu.memref_slice %arg5[%squeeze3A_214, %dma_start3A_228] : memref<2x1024xf32, #tpu.memory_space<vmem>> -> memref<1x1024xf32, #tpu.memory_space<vmem>>
      tpu.enqueue_dma source(%dma_start3A_229 : memref<1x1024xf32, #tpu.memory_space<vmem>>) target(%dma_start3A_227 : memref<1x1024xf32, #tpu.memory_space<hbm>>) target_semaphore(%dma_start3A_225 : memref<!tpu.dma_semaphore, #tpu.memory_space<semaphore_mem>>)
      %slice3A_230 = vector.extract_strided_slice %get3A_28 {offsets = [12], sizes = [1], strides = [1]} : vector<16xi32> to vector<1xi32>
      %squeeze3A_231 = vector.extract %slice3A_230[0] : i32 from vector<1xi32>
      %mul3A_232 = arith.constant 16 : i32
      %mul3A_233 = arith.muli %scan3A_22, %mul3A_232 : i32
      %add3A_234 = arith.addi %add3A_4, %mul3A_233 : i32
      %add3A_235 = arith.constant 12 : i32
      %add3A_236 = arith.addi %add3A_234, %add3A_235 : i32
      %dma_start3A_237 = arith.constant 0 : i32
      %dma_start3A_238 = tpu.memref_slice %arg5[%squeeze3A_231, %dma_start3A_237] : memref<2x1024xf32, #tpu.memory_space<vmem>> -> memref<1x1024xf32, #tpu.memory_space<vmem>>
      %dma_start3A_239 = arith.constant 0 : i32
      %dma_start3A_240 = tpu.memref_slice %arg4[%add3A_236, %dma_start3A_239] : memref<16384x1024xf32, #tpu.memory_space<hbm>> -> memref<1x1024xf32, #tpu.memory_space<hbm>>
      %dma_start3A_241 = tpu.memref_slice %arg8[%rem3A_23] : memref<2x!tpu.dma_semaphore, #tpu.memory_space<semaphore_mem>> -> memref<1x!tpu.dma_semaphore, #tpu.memory_space<semaphore_mem>>
      %dma_start3A_242 = tpu.memref_squeeze %dma_start3A_241 : memref<1x!tpu.dma_semaphore, #tpu.memory_space<semaphore_mem>> -> memref<!tpu.dma_semaphore, #tpu.memory_space<semaphore_mem>>
      %dma_start3A_243 = arith.constant 0 : i32
      %dma_start3A_244 = tpu.memref_slice %arg4[%add3A_236, %dma_start3A_243] : memref<16384x1024xf32, #tpu.memory_space<hbm>> -> memref<1x1024xf32, #tpu.memory_space<hbm>>
      %dma_start3A_245 = arith.constant 0 : i32
      %dma_start3A_246 = tpu.memref_slice %arg5[%squeeze3A_231, %dma_start3A_245] : memref<2x1024xf32, #tpu.memory_space<vmem>> -> memref<1x1024xf32, #tpu.memory_space<vmem>>
      tpu.enqueue_dma source(%dma_start3A_246 : memref<1x1024xf32, #tpu.memory_space<vmem>>) target(%dma_start3A_244 : memref<1x1024xf32, #tpu.memory_space<hbm>>) target_semaphore(%dma_start3A_242 : memref<!tpu.dma_semaphore, #tpu.memory_space<semaphore_mem>>)
      %slice3A_247 = vector.extract_strided_slice %get3A_28 {offsets = [13], sizes = [1], strides = [1]} : vector<16xi32> to vector<1xi32>
      %squeeze3A_248 = vector.extract %slice3A_247[0] : i32 from vector<1xi32>
      %mul3A_249 = arith.constant 16 : i32
      %mul3A_250 = arith.muli %scan3A_22, %mul3A_249 : i32
      %add3A_251 = arith.addi %add3A_4, %mul3A_250 : i32
      %add3A_252 = arith.constant 13 : i32
      %add3A_253 = arith.addi %add3A_251, %add3A_252 : i32
      %dma_start3A_254 = arith.constant 0 : i32
      %dma_start3A_255 = tpu.memref_slice %arg5[%squeeze3A_248, %dma_start3A_254] : memref<2x1024xf32, #tpu.memory_space<vmem>> -> memref<1x1024xf32, #tpu.memory_space<vmem>>
      %dma_start3A_256 = arith.constant 0 : i32
      %dma_start3A_257 = tpu.memref_slice %arg4[%add3A_253, %dma_start3A_256] : memref<16384x1024xf32, #tpu.memory_space<hbm>> -> memref<1x1024xf32, #tpu.memory_space<hbm>>
      %dma_start3A_258 = tpu.memref_slice %arg8[%rem3A_23] : memref<2x!tpu.dma_semaphore, #tpu.memory_space<semaphore_mem>> -> memref<1x!tpu.dma_semaphore, #tpu.memory_space<semaphore_mem>>
      %dma_start3A_259 = tpu.memref_squeeze %dma_start3A_258 : memref<1x!tpu.dma_semaphore, #tpu.memory_space<semaphore_mem>> -> memref<!tpu.dma_semaphore, #tpu.memory_space<semaphore_mem>>
      %dma_start3A_260 = arith.constant 0 : i32
      %dma_start3A_261 = tpu.memref_slice %arg4[%add3A_253, %dma_start3A_260] : memref<16384x1024xf32, #tpu.memory_space<hbm>> -> memref<1x1024xf32, #tpu.memory_space<hbm>>
      %dma_start3A_262 = arith.constant 0 : i32
      %dma_start3A_263 = tpu.memref_slice %arg5[%squeeze3A_248, %dma_start3A_262] : memref<2x1024xf32, #tpu.memory_space<vmem>> -> memref<1x1024xf32, #tpu.memory_space<vmem>>
      tpu.enqueue_dma source(%dma_start3A_263 : memref<1x1024xf32, #tpu.memory_space<vmem>>) target(%dma_start3A_261 : memref<1x1024xf32, #tpu.memory_space<hbm>>) target_semaphore(%dma_start3A_259 : memref<!tpu.dma_semaphore, #tpu.memory_space<semaphore_mem>>)
      %slice3A_264 = vector.extract_strided_slice %get3A_28 {offsets = [14], sizes = [1], strides = [1]} : vector<16xi32> to vector<1xi32>
      %squeeze3A_265 = vector.extract %slice3A_264[0] : i32 from vector<1xi32>
      %mul3A_266 = arith.constant 16 : i32
      %mul3A_267 = arith.muli %scan3A_22, %mul3A_266 : i32
      %add3A_268 = arith.addi %add3A_4, %mul3A_267 : i32
      %add3A_269 = arith.constant 14 : i32
      %add3A_270 = arith.addi %add3A_268, %add3A_269 : i32
      %dma_start3A_271 = arith.constant 0 : i32
      %dma_start3A_272 = tpu.memref_slice %arg5[%squeeze3A_265, %dma_start3A_271] : memref<2x1024xf32, #tpu.memory_space<vmem>> -> memref<1x1024xf32, #tpu.memory_space<vmem>>
      %dma_start3A_273 = arith.constant 0 : i32
      %dma_start3A_274 = tpu.memref_slice %arg4[%add3A_270, %dma_start3A_273] : memref<16384x1024xf32, #tpu.memory_space<hbm>> -> memref<1x1024xf32, #tpu.memory_space<hbm>>
      %dma_start3A_275 = tpu.memref_slice %arg8[%rem3A_23] : memref<2x!tpu.dma_semaphore, #tpu.memory_space<semaphore_mem>> -> memref<1x!tpu.dma_semaphore, #tpu.memory_space<semaphore_mem>>
      %dma_start3A_276 = tpu.memref_squeeze %dma_start3A_275 : memref<1x!tpu.dma_semaphore, #tpu.memory_space<semaphore_mem>> -> memref<!tpu.dma_semaphore, #tpu.memory_space<semaphore_mem>>
      %dma_start3A_277 = arith.constant 0 : i32
      %dma_start3A_278 = tpu.memref_slice %arg4[%add3A_270, %dma_start3A_277] : memref<16384x1024xf32, #tpu.memory_space<hbm>> -> memref<1x1024xf32, #tpu.memory_space<hbm>>
      %dma_start3A_279 = arith.constant 0 : i32
      %dma_start3A_280 = tpu.memref_slice %arg5[%squeeze3A_265, %dma_start3A_279] : memref<2x1024xf32, #tpu.memory_space<vmem>> -> memref<1x1024xf32, #tpu.memory_space<vmem>>
      tpu.enqueue_dma source(%dma_start3A_280 : memref<1x1024xf32, #tpu.memory_space<vmem>>) target(%dma_start3A_278 : memref<1x1024xf32, #tpu.memory_space<hbm>>) target_semaphore(%dma_start3A_276 : memref<!tpu.dma_semaphore, #tpu.memory_space<semaphore_mem>>)
      %slice3A_281 = vector.extract_strided_slice %get3A_28 {offsets = [15], sizes = [1], strides = [1]} : vector<16xi32> to vector<1xi32>
      %squeeze3A_282 = vector.extract %slice3A_281[0] : i32 from vector<1xi32>
      %mul3A_283 = arith.constant 16 : i32
      %mul3A_284 = arith.muli %scan3A_22, %mul3A_283 : i32
      %add3A_285 = arith.addi %add3A_4, %mul3A_284 : i32
      %add3A_286 = arith.constant 15 : i32
      %add3A_287 = arith.addi %add3A_285, %add3A_286 : i32
      %dma_start3A_288 = arith.constant 0 : i32
      %dma_start3A_289 = tpu.memref_slice %arg5[%squeeze3A_282, %dma_start3A_288] : memref<2x1024xf32, #tpu.memory_space<vmem>> -> memref<1x1024xf32, #tpu.memory_space<vmem>>
      %dma_start3A_290 = arith.constant 0 : i32
      %dma_start3A_291 = tpu.memref_slice %arg4[%add3A_287, %dma_start3A_290] : memref<16384x1024xf32, #tpu.memory_space<hbm>> -> memref<1x1024xf32, #tpu.memory_space<hbm>>
      %dma_start3A_292 = tpu.memref_slice %arg8[%rem3A_23] : memref<2x!tpu.dma_semaphore, #tpu.memory_space<semaphore_mem>> -> memref<1x!tpu.dma_semaphore, #tpu.memory_space<semaphore_mem>>
      %dma_start3A_293 = tpu.memref_squeeze %dma_start3A_292 : memref<1x!tpu.dma_semaphore, #tpu.memory_space<semaphore_mem>> -> memref<!tpu.dma_semaphore, #tpu.memory_space<semaphore_mem>>
      %dma_start3A_294 = arith.constant 0 : i32
      %dma_start3A_295 = tpu.memref_slice %arg4[%add3A_287, %dma_start3A_294] : memref<16384x1024xf32, #tpu.memory_space<hbm>> -> memref<1x1024xf32, #tpu.memory_space<hbm>>
      %dma_start3A_296 = arith.constant 0 : i32
      %dma_start3A_297 = tpu.memref_slice %arg5[%squeeze3A_282, %dma_start3A_296] : memref<2x1024xf32, #tpu.memory_space<vmem>> -> memref<1x1024xf32, #tpu.memory_space<vmem>>
      tpu.enqueue_dma source(%dma_start3A_297 : memref<1x1024xf32, #tpu.memory_space<vmem>>) target(%dma_start3A_295 : memref<1x1024xf32, #tpu.memory_space<hbm>>) target_semaphore(%dma_start3A_293 : memref<!tpu.dma_semaphore, #tpu.memory_space<semaphore_mem>>)
    }
    %scan3A_8 = arith.constant 16 : i32
    %dma_wait3A = arith.constant 0 : i32
    %dma_wait3A_9 = arith.constant 0 : i32
    %dma_wait3A_10 = tpu.memref_slice %arg4[%add3A_4, %dma_wait3A_9] : memref<16384x1024xf32, #tpu.memory_space<hbm>> -> memref<16x1024xf32, #tpu.memory_space<hbm>>
    %dma_wait3A_11 = tpu.memref_slice %arg8[%dma_wait3A] : memref<2x!tpu.dma_semaphore, #tpu.memory_space<semaphore_mem>> -> memref<1x!tpu.dma_semaphore, #tpu.memory_space<semaphore_mem>>
    %dma_wait3A_12 = tpu.memref_squeeze %dma_wait3A_11 : memref<1x!tpu.dma_semaphore, #tpu.memory_space<semaphore_mem>> -> memref<!tpu.dma_semaphore, #tpu.memory_space<semaphore_mem>>
    %dma_wait3A_13 = arith.constant 0 : i32
    %dma_wait3A_14 = tpu.memref_slice %arg4[%add3A_4, %dma_wait3A_13] : memref<16384x1024xf32, #tpu.memory_space<hbm>> -> memref<16x1024xf32, #tpu.memory_space<hbm>>
    tpu.wait_dma2 semaphore(%dma_wait3A_12 : memref<!tpu.dma_semaphore, #tpu.memory_space<semaphore_mem>>) src(%dma_wait3A_14 : memref<16x1024xf32, #tpu.memory_space<hbm>>) dst(%arg7 : memref<16x1024xf32, #tpu.memory_space<vmem>>)
    %dma_wait3A_15 = arith.constant 1 : i32
    %dma_wait3A_16 = arith.constant 0 : i32
    %dma_wait3A_17 = tpu.memref_slice %arg4[%add3A_4, %dma_wait3A_16] : memref<16384x1024xf32, #tpu.memory_space<hbm>> -> memref<16x1024xf32, #tpu.memory_space<hbm>>
    %dma_wait3A_18 = tpu.memref_slice %arg8[%dma_wait3A_15] : memref<2x!tpu.dma_semaphore, #tpu.memory_space<semaphore_mem>> -> memref<1x!tpu.dma_semaphore, #tpu.memory_space<semaphore_mem>>
    %dma_wait3A_19 = tpu.memref_squeeze %dma_wait3A_18 : memref<1x!tpu.dma_semaphore, #tpu.memory_space<semaphore_mem>> -> memref<!tpu.dma_semaphore, #tpu.memory_space<semaphore_mem>>
    %dma_wait3A_20 = arith.constant 0 : i32
    %dma_wait3A_21 = tpu.memref_slice %arg4[%add3A_4, %dma_wait3A_20] : memref<16384x1024xf32, #tpu.memory_space<hbm>> -> memref<16x1024xf32, #tpu.memory_space<hbm>>
    tpu.wait_dma2 semaphore(%dma_wait3A_19 : memref<!tpu.dma_semaphore, #tpu.memory_space<semaphore_mem>>) src(%dma_wait3A_21 : memref<16x1024xf32, #tpu.memory_space<hbm>>) dst(%arg7 : memref<16x1024xf32, #tpu.memory_space<vmem>>)
    return
  }
}

module attributes {stable_mosaic.version = 14 : i64} {
  func.func @_tc_body(%arg0: i32, %arg1: memref<512x1xi32, #tpu.memory_space<vmem>>, %arg2: memref<2x1024xf32, #tpu.memory_space<vmem>>, %arg3: memref<16384x1024xf32, #tpu.memory_space<any>>, %arg4: memref<512x1024xf32, #tpu.memory_space<vmem>>) attributes {dimension_semantics = [#tpu.dimension_semantics<arbitrary>], iteration_bounds = array<i64: 16>, scalar_prefetch = 0 : i64, scratch_operands = 0 : i64, tpu.core_type = #tpu.core_type<tc>, window_params = [{transform_indices = @transform_0, window_bounds = array<i64: 512, 1>}, {pipeline_mode = #tpu.pipeline_mode<synchronous>, transform_indices = @transform_1, window_bounds = array<i64: 2, 1024>}, {}, {transform_indices = @transform_3, window_bounds = array<i64: 512, 1024>}]} {
    %get3A = arith.constant 0 : index
    %get3A_0 = arith.constant 0 : index
    %get3A_1 = vector.load %arg1[%get3A, %get3A_0] : memref<512x1xi32, #tpu.memory_space<vmem>>, vector<512x1xi32>
    %get3A_2 = arith.constant 0 : index
    %get3A_3 = arith.constant 0 : index
    %get3A_4 = vector.load %arg2[%get3A_2, %get3A_3] : memref<2x1024xf32, #tpu.memory_space<vmem>>, vector<1x1024xf32>
    %get3A_5 = arith.constant 1 : index
    %get3A_6 = arith.constant 0 : index
    %get3A_7 = vector.load %arg2[%get3A_5, %get3A_6] : memref<2x1024xf32, #tpu.memory_space<vmem>>, vector<1x1024xf32>
    %eq3A = arith.constant 0 : i32
    %eq3A_8 = vector.broadcast %eq3A : i32 to vector<512x1xi32>
    %eq3A_9 = arith.cmpi eq, %get3A_1, %eq3A_8 : vector<512x1xi32>
    %broadcast_in_dim3A = vector.shape_cast %eq3A_9 : vector<512x1xi1> to vector<512x1xi1>
    %broadcast_in_dim3A_10 = vector.broadcast %broadcast_in_dim3A : vector<512x1xi1> to vector<512x1024xi1>
    %broadcast_in_dim3A_11 = vector.shape_cast %get3A_4 : vector<1x1024xf32> to vector<1x1024xf32>
    %broadcast_in_dim3A_12 = vector.broadcast %broadcast_in_dim3A_11 : vector<1x1024xf32> to vector<512x1024xf32>
    %broadcast_in_dim3A_13 = vector.shape_cast %get3A_7 : vector<1x1024xf32> to vector<1x1024xf32>
    %broadcast_in_dim3A_14 = vector.broadcast %broadcast_in_dim3A_13 : vector<1x1024xf32> to vector<512x1024xf32>
    %select_n3A = arith.select %broadcast_in_dim3A_10, %broadcast_in_dim3A_12, %broadcast_in_dim3A_14 : vector<512x1024xi1>, vector<512x1024xf32>
    %swap3A = arith.constant 0 : index
    %swap3A_15 = arith.constant 0 : index
    %swap3A_16 = vector.load %arg4[%swap3A, %swap3A_15] : memref<512x1024xf32, #tpu.memory_space<vmem>>, vector<512x1024xf32>
    tpu.vector_store %arg4[%swap3A, %swap3A_15], %select_n3A {strides = array<i32>} : memref<512x1024xf32, #tpu.memory_space<vmem>>, vector<512x1024xf32>,
    return
  }
  func.func @transform_0(%arg0: i32) -> (i32, i32) {
    %c0_i32 = arith.constant 0 : i32
    %c0_i32_0 = arith.constant 0 : i32
    return %arg0, %c0_i32 : i32, i32
  }
  func.func @transform_1(%arg0: i32) -> (i32, i32) {
    %c0_i32 = arith.constant 0 : i32
    %c0_i32_0 = arith.constant 0 : i32
    %c0_i32_1 = arith.constant 0 : i32
    return %c0_i32, %c0_i32_0 : i32, i32
  }
  func.func @transform_3(%arg0: i32) -> (i32, i32) {
    %c0_i32 = arith.constant 0 : i32
    %c0_i32_0 = arith.constant 0 : i32
    return %arg0, %c0_i32 : i32, i32
  }
}

</mosaic_0001>

<sc_bundles>
// kernel: kernel.4.cloned.1.call-start
scs
__scs_entry_jumppad:
0x0: {  	(pc) =	sbr.rel $0x88, $3  }
0x1: {  	(tag) =	ssettag $0x0;
	lr =	simm.s32 $0x1  }
0x2: {  	[smem:$0x3F9F] =	sst lr;
	_ =	strace $0xD0000000  }
0x3: {  	_ = 	snop  }
0x4: {  	_ = 	snop  }
0x5: {  	_ = 	snop  }
0x6: {  	_ = 	snop  }
0x7: {  	_ = 	snop  }
__scs_overlays_trampoline_lowered:
0x8: {  	[smem:$0x3FAE] =	sst s0  }
0x9: {  	[smem:$0x3FAF] =	sst s1  }
0xa: {  	[smem:$0x3FB0] =	sst s2  }
0xb: {  	[smem:$0x3FB1] =	sst s3  }
0xc: {  	[smem:$0x3FB2] =	sst s4  }
0xd: {  	[smem:$0x3FB3] =	sst s5  }
0xe: {  	[smem:$0x3FB4] =	sst s6  }
0xf: {  	[smem:$0x3FB5] =	sst s7  }
0x10: {  	[smem:$0x3FB6] =	sst s8  }
0x11: {  	[smem:$0x3FB7] =	sst s9;
	s0 =	simm.s32 @!p0 $0x0  }
0x12: {  	s1 =	sld [smem:$0x3F9D];
	s0 =	simm.s32 @p0 $0x1  }
0x13: {  	[smem:$0x3FB8] =	sst s0;
	s0 =	simm.s32 @!p1 $0x0  }
0x14: {  	s2 =	sld [smem:$0x3F9C];
	s0 =	simm.s32 @p1 $0x1  }
0x15: {  	[smem:$0x3FB9] =	sst s0;
	s0 =	simm.s32 @!p2 $0x0  }
0x16: {  	s3 =	sld [smem:$0x3FDB];
	s0 =	simm.s32 @p2 $0x1  }
0x17: {  	s4 =	simm.s32 $0x1BF5;
	[smem:$0x3FBB] =	sst s0  }
0x18: {  	s0 =	sld [smem:$0x3F9E];
	_ =	swait.ge [sflag:s4], $0x0  }
0x19: {  	s7 =	sld [smem:$0x3F9F]  }
0x1a: {  	s8 =	sadd.s32 $0xFFFFE003, lr  }
0x1b: {  	s9 =	sadd.s32 $0xFFFFFEF7, lr;
	s5 =	simm.s32 $0xFFFFFFFF;
	p2 =	slt.u32 s8, $0xFFFFF086  }
0x1c: {  	p1 =	slt.u32 s9, $0xF7A;
	s5 =	simm.s32 @!p2 $0x0  }
0x1d: {  	s5 =	simm.s32 @p1 $0x1;
	p0 =	seq.s32 s7, s2  }
0x1e: {  	s7 =	smul.u32 @!p0 $0xF7A, s2;
	p2 =	seq.s32 @!p0 s5, $0x0  }
0x1f: {  	s9 =	smul.u32 $0xF7A, s1;
	s8 =	simm.s32 @!p0 $0x1BF5;
	p2 =	por !p2, p0  }
0x20: {  	[sflag:s8] =	ssyncset.s32 @!p0 $0xFFFFF086;
	s6 =	sadd.s32 @!p0 s3, s7;
	s7 =	simm.s32 @!p0 $0x108  }
0x21: {  	s3 =	sadd.s32 s3, s9;
	s6 =	sadd.s32 @!p0 $0x88, s6;
	s7 =	simm.s32 @p2 $0x1082  }
0x22: {  	[simem:s7], [sflag:s8] =	dma.local @!p0 [hbm:s6], $0xF7A  }
0x23: {  	s9 =	sor.u32 $0xD0000000, s2;
	s6 =	simm.s32 $0x108;
	_ =	swait.ge @!p0 [sflag:s8], $0x0  }
0x24: {  	s3 =	sadd.s32 $0x88, s3;
	s6 =	simm.s32 @!p1 $0x1082;
	[sflag:s4] =	ssyncset.s32 $0xFFFFF086  }
0x25: {  	[simem:s6], [sflag:s4] =	dma.local [hbm:s3], $0xF7A  }
0x26: {  	[smem:$0x3F9F] =	sst s1;
	(tag) =	ssettag s2;
	_ =	strace s9  }
0x27: {  	s1 =	sld [smem:$0x3FAF]  }
0x28: {  	s2 =	sld [smem:$0x3FB0]  }
0x29: {  	s4 =	sld [smem:$0x3FB2]  }
0x2a: {  	p0 =	seq.s32 s5, $0x0;
	s5 =	sld [smem:$0x3FB3]  }
0x2b: {  	s6 =	sld [smem:$0x3FB4]  }
0x2c: {  	s7 =	sld [smem:$0x3FB5]  }
0x2d: {  	s3 =	simm.s32 $0x108;
	s8 =	sld [smem:$0x3FB6]  }
0x2e: {  	s3 =	simm.s32 @!p0 $0x1082;
	s9 =	sld [smem:$0x3FB7]  }
0x2f: {  	lr =	sadd.s32 s0, s3;
	s0 =	sld [smem:$0x3FAE]  }
0x30: {  	s3 =	sld [smem:$0x3FB1]  }
0x31: {  	[smem:$0x3FBA] =	sst s10  }
0x32: {  	s10 =	sld [smem:$0x3FB8];
	_ =	sdelay $0x3  }
0x33: {  	p0 =	seq.s32 s10, $0x1;
	s10 =	sld [smem:$0x3FBA];
	_ =	sdelay $0x3  }
0x34: {  	[smem:$0x3FBA] =	sst s10  }
0x35: {  	s10 =	sld [smem:$0x3FB9];
	_ =	sdelay $0x3  }
0x36: {  	p1 =	seq.s32 s10, $0x1;
	s10 =	sld [smem:$0x3FBA];
	_ =	sdelay $0x3  }
0x37: {  	[smem:$0x3FBA] =	sst s10  }
0x38: {  	s10 =	sld [smem:$0x3FBB]  }
0x39: {  	_ = 	snop;
	(pc) =	sbr.ind lr, $3  }
0x3a: {  	_ = 	snop  }
0x3b: {  	_ = 	snop  }
0x3c: {  	p2 =	seq.s32 s10, $0x1;
	s10 =	sld [smem:$0x3FBA]  }
0x3d: {  	_ =	shalt  }
0x3e: {  	_ =	shalt  }
0x3f: {  	_ =	shalt  }
0x40: {  	_ =	shalt  }
0x41: {  	_ =	shalt  }
0x42: {  	_ =	shalt  }
0x43: {  	_ =	shalt  }
0x44: {  	_ =	shalt  }
0x45: {  	_ =	shalt  }
0x46: {  	_ =	shalt  }
0x47: {  	_ =	shalt  }
0x48: {  	_ =	shalt  }
0x49: {  	_ =	shalt  }
0x4a: {  	_ =	shalt  }
0x4b: {  	_ =	shalt  }
0x4c: {  	_ =	shalt  }
0x4d: {  	_ =	shalt  }
0x4e: {  	_ =	shalt  }
0x4f: {  	_ =	shalt  }
0x50: {  	_ =	shalt  }
0x51: {  	_ =	shalt  }
0x52: {  	_ =	shalt  }
0x53: {  	_ =	shalt  }
0x54: {  	_ =	shalt  }
0x55: {  	_ =	shalt  }
0x56: {  	_ =	shalt  }
0x57: {  	_ =	shalt  }
0x58: {  	_ =	shalt  }
0x59: {  	_ =	shalt  }
0x5a: {  	_ =	shalt  }
0x5b: {  	_ =	shalt  }
0x5c: {  	_ =	shalt  }
0x5d: {  	_ =	shalt  }
0x5e: {  	_ =	shalt  }
0x5f: {  	_ =	shalt  }
0x60: {  	_ =	shalt  }
0x61: {  	_ =	shalt  }
0x62: {  	_ =	shalt  }
0x63: {  	_ =	shalt  }
0x64: {  	_ =	shalt  }
0x65: {  	_ =	shalt  }
0x66: {  	_ =	shalt  }
0x67: {  	_ =	shalt  }
0x68: {  	_ =	shalt  }
0x69: {  	_ =	shalt  }
0x6a: {  	_ =	shalt  }
0x6b: {  	_ =	shalt  }
0x6c: {  	_ =	shalt  }
0x6d: {  	_ =	shalt  }
0x6e: {  	_ =	shalt  }
0x6f: {  	_ =	shalt  }
0x70: {  	_ =	shalt  }
0x71: {  	_ =	shalt  }
0x72: {  	_ =	shalt  }
0x73: {  	_ =	shalt  }
0x74: {  	_ =	shalt  }
0x75: {  	_ =	shalt  }
0x76: {  	_ =	shalt  }
0x77: {  	_ =	shalt  }
0x78: {  	_ =	shalt  }
0x79: {  	_ =	shalt  }
0x7a: {  	_ =	shalt  }
0x7b: {  	_ =	shalt  }
0x7c: {  	_ =	shalt  }
0x7d: {  	_ =	shalt  }
0x7e: {  	_ =	shalt  }
0x7f: {  	_ =	shalt  }
0x80: {  	_ =	shalt  }
0x81: {  	_ =	shalt  }
0x82: {  	_ =	shalt  }
0x83: {  	_ =	shalt  }
0x84: {  	_ =	shalt  }
0x85: {  	_ =	shalt  }
0x86: {  	_ =	shalt  }
0x87: {  	_ =	shalt  }
.Lfunc_end0:
.L_simem_size_0:
called_computation_lowered:
.L_overlay_start_0:
0x88: {  	s2 =	sld [smem:$0x3FD9]  }
0x89: {  	s3 =	sld [smem:$0x3FFE];
	_ =	sdelay $0x1  }
0x8a: {  	s1 =	srdreg.scid  }
0x8b: {  	s0 =	sand.u32 $0x1, s1  }
0x8c: {  	s17 =	sshll.u32 s0, $0xA;
	s2 =	sadd.s32 s3, s2  }
0x8d: {  	s2 =	sadd.s32 s2, s17  }
0x8e: {  	[smem:$0x3FC6] =	sst s2  }
0x8f: {  	_ = 	snop  }
0x90: {  	s2 =	sld [smem:$0x3FC8]  }
0x91: {  	s18 =	sld [smem:$0x3FD0];
	(tm) =	ssettm $0x1  }
0x92: {  	s4 =	sld [smem:$0x3FFB];
	_ =	sdelay $0x3  }
0x93: {  	_ =	strace s4  }
0x94: {  	s4 =	sld [smem:$0x3FFC];
	_ =	sdelay $0x3  }
0x95: {  	_ =	strace s4  }
0x96: {  	s4 =	sld [smem:$0x3FFD];
	_ =	sdelay $0x3  }
0x97: {  	_ =	strace s4  }
0x98: {  	_ =	strace $0x8FFFFFFF  }
0x99: {  	s19 =	sld [smem:$0x3FDB];
	_ =	sdelay $0x1  }
0x9a: {  	s5 =	simm.s32 $_scs_section_size  }
0x9b: {  	s6 =	simm.s32 $_size__tile_overlayer_lowered;
	s7 =	simm.s32 $_tile_overlayer_lowered  }
0x9c: {  	s22 =	simm.s32 $0x1BFF;
	s21 =	sshll.u32 s7, $0x1;
	s4 =	sadd.s32 s5, s19  }
0x9d: {  	s8 =	simm.s32 $0x0;
	s20 =	sshll.u32 s6, $0x1;
	s6 =	sadd.s32 s21, s4  }
0x9e: {  	[timem:s8], [sflag:s22] =	dma.local [hbm:s6], s20  }
0x9f: {  	_ =	swait.ge [sflag:s22], s20  }
0xa0: {  	s5 =	ssub.s32 $0x0, s20;
	[sflag:s22] =	ssyncset.done $0x0  }
0xa1: {  	[sflag:s22] =	ssyncadd.s32 s5;
	_ =	sdelay $0x1  }
0xa2: {  	s23 =	simm.s32 $0x1B8B  }
0xa3: {  	_ =	swait.ge [sflag:s23], $0x1  }
0xa4: {  	[sflag:s23] =	ssyncset.done $0x0  }
0xa5: {  	s25 =	simm.s32 $0x1B8E;
	s24 =	sld [smem:$0x3FFE];
	[sflag:s23] =	ssyncadd.s32 $0xFFFFFFFF  }
0xa6: {  	s26 =	simm.s32 $execute0_lowered;
	[smem:$0x3FD2] =	sst s25  }
0xa7: {  	s6 =	sshll.u32 s26, $0x1;
	_ =	strace $0x80000046;
	[dreg:$0x1] =	wrdreg $0xFFFFFFFF  }
0xa8: {  	s28 =	simm.s32 $_size_execute0_lowered;
	s4 =	sadd.s32 s4, s6;
	[dreg:$0x0] =	wrdreg $0x0  }
0xa9: {  	s6 =	sshll.u32 s28, $0x1;
	[dreg:$0x2] =	wrdreg s4  }
0xaa: {  	[dreg:$0x3] =	wrdreg s6  }
0xab: {  	[dreg:$0x4] =	wrdreg $0xC0  }
0xac: {  	_ =	task [dreg:s8], $0x5FFFF  }
0xad: {  	[dreg:$0x1] =	wrdreg $0xFFFFFFFF  }
0xae: {  	[dreg:$0x0] =	wrdreg $0x60  }
0xaf: {  	[dreg:$0x2] =	wrdreg s24  }
0xb0: {  	[dreg:$0x3] =	wrdreg s2  }
0xb1: {  	[dreg:$0x4] =	wrdreg s18  }
0xb2: {  	[dreg:$0x5] =	wrdreg $0x9  }
0xb3: {  	_ =	task.clear_ibuf [dreg:s8], $0x6FFFF;
	_ =	strace $0x90000046  }
0xb4: {  	s29 =	simm.s32 $0x9;
	_ =	strace $0x80000048  }
0xb5: {  	_ =	swait.ge [sflag:s29], $0x1  }
0xb6: {  	[sflag:s29] =	ssyncadd.s32 $0xFFFFFFFF  }
0xb7: {  	_ =	strace $0x90000048  }
0xb8: {  	_ =	sfence  }
0xb9: {  	s30 =	sld [smem:$0x0];
	_ =	sdelay $0x2  }
0xba: {  	s31 =	sshll.u32 s1, $0xD;
	s1 =	sshrl.u32 s1, $0x2  }
0xbb: {  	s3 =	sand.u32 $0x4000, s31;
	s1 =	sadd.s32 s1, s30  }
0xbc: {  	s0 =	sor.u32 s3, s0;
	s1 =	sshll.u32 s1, $0x11  }
0xbd: {  	s0 =	sor.u32 s1, s0  }
0xbe: {  	s0 =	sadd.s32 $0x8F2B, s0  }
0xbf: {  	[sflag:s0] =	ssyncadd.remote.s32 $0x1  }
0xc0: {  	_ =	sfence.sel $0xFFFF  }
0xc1: {  	[dreg:$0x0] =	wrdreg $0xFFFFFFFF;
	(pc) =	sbr.abs _section_cstart, $3  }
0xc2: {  	[dreg:$0x1] =	wrdreg $0xFFFFFFFF  }
0xc3: {  	_ =	task.clear_ibuf [dreg:s8], $0x2FFFF;
	_ =	strace $0x9FFFFFFF  }
0xc4: {  	(tm) =	ssettm $0x7FFFFFFF  }
0xc5: {  	_ =	shalt  }
tec
execute0_lowered:
.L_overlay_start_1:
0x0: {  	(tag) =	ssettag $0x1  }
0x1: {  	s4 =	rddreg [dreg:$0x0]  }
0x2: {  	s1 =	rddreg [dreg:$0x1]  }
0x3: {  	s5 =	rddreg [dreg:$0x2]  }
0x4: {  	s6 =	srdreg.scid;
	s3 =	simm.s32 $0x0;
	s2 =	stileid.u32  }
0x5: {  	s6 =	sand.u32 $0x1, s6;
	[smem:$0x7FF] =	sst s3;
	s7 =	sshll.u32 s2, $0x9  }
0x6: {  	s31 =	sshll.u32 s2, $0x10;
	s8 =	sshll.u32 s6, $0x8;
	_ =	strace $0x80000047  }
0x7: {  	s30 =	ssub.s32 $0x2, s6;
	s5 =	sadd.s32 s31, s5;
	s6 =	sshll.u32 s6, $0xF  }
0x8: {  	s7 =	sor.u32 s8, s7;
	s9 =	sshrl.u32 s30, $0x1;
	s6 =	sadd.s32 s6, s5  }
0x9: {  	s8 =	simm.s32 $0x2;
	s4 =	sadd.s32 s7, s4;
	s7 =	ssub.s32 s30, s9  }
0xa: {  	[dreg:$0x4] =	wrdreg s6;
	s6 =	simm.s32 $0x3;
	s9 =	simm.s32 $0x0  }
0xb: {  	s4 =	sadd.s32 $0x800, s4;
	s5 =	smax.u32 s7, $0x1;
	s7 =	simm.s32 $0x1  }
.LBB2_1:
0xc: {  	s10 =	simm.s32 $0x800  }
0xd: {  	[tilespmem:s10], [sflag:$0x3] =	stream.linear.gather [hbm4b:s4+s3], $0x800, $0x38;
	[tilespmem:$0x1000] =	vst v63  }
0xe: {  	_ =	swait.ge [sflag:s6], $0x800  }
0xf: {  	[sflag:s6] =	ssyncset.done $0x0  }
0x10: {  	[sflag:s6] =	ssyncadd.s32 $0xFFFFF800  }
0x11: {  	[tilespmem:s3], [sflag:$0x3] =	stream.linear.gather [hbm4b:s1+s3], $0x800, $0x38;
	[tilespmem:$0x1000] =	vst v63  }
0x12: {  	p0 =	por $0x1, $0x1;
	_ =	swait.ge [sflag:s6], $0x800  }
0x13: {  	s12 =	sand.u32 $0x1, s3;
	p0 =	por p0, p0;
	[sflag:s6] =	ssyncset.done $0x0  }
0x14: {  	s11 =	sadd.s32 @!p0 $0x1, s12;
	[sflag:s6] =	ssyncadd.s32 $0xFFFFF800  }
0x15: {  	_ =	swait.ge @!p0 [sflag:s11], $0x4000  }
0x16: {  	[sflag:s11] =	ssyncset.done @!p0 $0x0  }
0x17: {  	[sflag:s11] =	ssyncadd.s32 @!p0 $0xFFFFC000  }
0x18: {  	v0 =	vld [tilespmem:s10+$0x0];
	_ =	sdelay $0x4  }
0x19: {  	(v2sf) =	vpush v0, $0x0;
	_ =	sdelay $0xc  }
0x1a: {  	(v2sf) =	vpush v0, $0x1;
	_ =	sdelay $0x1  }
0x1b: {  	s20 =	spop (v2sf)  }
0x1c: {  	s19 =	rddreg [dreg:$0x4];
	s13 =	sshll.u32 s20, $0xA;
	s14 =	sshll.u32 s20, $0x7  }
0x1d: {  	s11 =	sadd.s32 $0x0, s19;
	s13 =	sand.u32 $0xFFFFF800, s13;
	s14 =	sand.u32 $0x80, s14  }
0x1e: {  	s10 =	sadd.s32 $0x1, s12;
	s21 =	sadd.s32 $0x100000, s11;
	s13 =	sor.u32 s14, s13  }
0x1f: {  	[hbm4b:s21+s3] =	stream.linear.scatter [tilespmem:s13], [sflag:s10], $0x80, $0x38;
	[tilespmem:$0x1000] =	vst v63  }
0x20: {  	s15 =	sadd.s32 $0x80, s21;
	s14 =	sor.u32 $0x100, s13  }
0x21: {  	[hbm4b:s15+s3] =	stream.linear.scatter [tilespmem:s14], [sflag:s10], $0x80, $0x38;
	[tilespmem:$0x1000] =	vst v63  }
0x22: {  	s23 =	sadd.s32 $0x100, s21;
	s22 =	sor.u32 $0x200, s13  }
0x23: {  	(v2sf) =	vpush v0, $0x2;
	[hbm4b:s23+s3] =	stream.linear.scatter [tilespmem:s22], [sflag:s10], $0x80, $0x38;
	[tilespmem:$0x1000] =	vst v63  }
0x24: {  	s16 =	sadd.s32 $0x180, s21;
	s17 =	sadd.s32 $0x200, s21;
	s25 =	sor.u32 $0x300, s13  }
0x25: {  	[hbm4b:s16+s3] =	stream.linear.scatter [tilespmem:s25], [sflag:s10], $0x80, $0x38;
	[tilespmem:$0x1000] =	vst v63  }
0x26: {  	s30 =	sadd.s32 $0x280, s21;
	s0 =	sadd.s32 $0x300, s21;
	s28 =	sor.u32 $0x400, s13  }
0x27: {  	[hbm4b:s17+s3] =	stream.linear.scatter [tilespmem:s28], [sflag:s10], $0x80, $0x38;
	[tilespmem:$0x1000] =	vst v63  }
0x28: {  	s12 =	sadd.s32 $0x380, s21;
	s24 =	spop (v2sf);
	s29 =	sor.u32 $0x500, s13  }
0x29: {  	[hbm4b:s30+s3] =	stream.linear.scatter [tilespmem:s29], [sflag:s10], $0x80, $0x38;
	[tilespmem:$0x1000] =	vst v63  }
0x2a: {  	s26 =	sshll.u32 s24, $0xA;
	s31 =	sor.u32 $0x600, s13;
	s14 =	sshll.u32 s24, $0x7  }
0x2b: {  	[hbm4b:s0+s3] =	stream.linear.scatter [tilespmem:s31], [sflag:s10], $0x80, $0x38;
	[tilespmem:$0x1000] =	vst v63  }
0x2c: {  	s13 =	sor.u32 $0x700, s13;
	s15 =	sand.u32 $0xFFFFF800, s26;
	s14 =	sand.u32 $0x80, s14  }
0x2d: {  	[hbm4b:s12+s3] =	stream.linear.scatter [tilespmem:s13], [sflag:s10], $0x80, $0x38;
	[tilespmem:$0x1000] =	vst v63  }
0x2e: {  	s18 =	sadd.s32 $0x100010, s11;
	s13 =	sor.u32 s14, s15  }
0x2f: {  	[hbm4b:s18+s3] =	stream.linear.scatter [tilespmem:s13], [sflag:s10], $0x80, $0x38;
	[tilespmem:$0x1000] =	vst v63  }
0x30: {  	s19 =	sadd.s32 $0x80, s18;
	s14 =	sor.u32 $0x100, s13  }
0x31: {  	[hbm4b:s19+s3] =	stream.linear.scatter [tilespmem:s14], [sflag:s10], $0x80, $0x38;
	[tilespmem:$0x1000] =	vst v63  }
0x32: {  	s21 =	sadd.s32 $0x100, s18;
	s22 =	spop (v2sf);
	s20 =	sor.u32 $0x200, s13  }
0x33: {  	(v2sf) =	vpush v0, $0x3;
	[hbm4b:s21+s3] =	stream.linear.scatter [tilespmem:s20], [sflag:s10], $0x80, $0x38;
	[tilespmem:$0x1000] =	vst v63  }
0x34: {  	s24 =	sadd.s32 $0x180, s18;
	s23 =	sor.u32 $0x300, s13  }
0x35: {  	[hbm4b:s24+s3] =	stream.linear.scatter [tilespmem:s23], [sflag:s10], $0x80, $0x38;
	[tilespmem:$0x1000] =	vst v63  }
0x36: {  	s28 =	sadd.s32 $0x200, s18;
	s30 =	sadd.s32 $0x280, s18;
	s26 =	sor.u32 $0x400, s13  }
0x37: {  	[hbm4b:s28+s3] =	stream.linear.scatter [tilespmem:s26], [sflag:s10], $0x80, $0x38;
	[tilespmem:$0x1000] =	vst v63  }
0x38: {  	s25 =	sshll.u32 s22, $0xA;
	s0 =	sadd.s32 $0x300, s18;
	s29 =	sor.u32 $0x500, s13  }
0x39: {  	[hbm4b:s30+s3] =	stream.linear.scatter [tilespmem:s29], [sflag:s10], $0x80, $0x38;
	[tilespmem:$0x1000] =	vst v63  }
0x3a: {  	s15 =	sand.u32 $0xFFFFF800, s25;
	s31 =	sor.u32 $0x600, s13;
	s14 =	sshll.u32 s22, $0x7  }
0x3b: {  	[hbm4b:s0+s3] =	stream.linear.scatter [tilespmem:s31], [sflag:s10], $0x80, $0x38;
	[tilespmem:$0x1000] =	vst v63  }
0x3c: {  	s12 =	sor.u32 $0x700, s13;
	s13 =	sadd.s32 $0x380, s18;
	s14 =	sand.u32 $0x80, s14  }
0x3d: {  	[hbm4b:s13+s3] =	stream.linear.scatter [tilespmem:s12], [sflag:s10], $0x80, $0x38;
	[tilespmem:$0x1000] =	vst v63  }
0x3e: {  	s18 =	sadd.s32 $0x100020, s11;
	s13 =	sor.u32 s14, s15  }
0x3f: {  	[hbm4b:s18+s3] =	stream.linear.scatter [tilespmem:s13], [sflag:s10], $0x80, $0x38;
	[tilespmem:$0x1000] =	vst v63  }
0x40: {  	s19 =	sadd.s32 $0x80, s18;
	s14 =	sor.u32 $0x100, s13  }
0x41: {  	[hbm4b:s19+s3] =	stream.linear.scatter [tilespmem:s14], [sflag:s10], $0x80, $0x38;
	[tilespmem:$0x1000] =	vst v63  }
0x42: {  	s21 =	sadd.s32 $0x100, s18;
	s22 =	spop (v2sf);
	s20 =	sor.u32 $0x200, s13  }
0x43: {  	(v2sf) =	vpush v0, $0x4;
	[hbm4b:s21+s3] =	stream.linear.scatter [tilespmem:s20], [sflag:s10], $0x80, $0x38;
	[tilespmem:$0x1000] =	vst v63  }
0x44: {  	s24 =	sadd.s32 $0x180, s18;
	s23 =	sor.u32 $0x300, s13  }
0x45: {  	[hbm4b:s24+s3] =	stream.linear.scatter [tilespmem:s23], [sflag:s10], $0x80, $0x38;
	[tilespmem:$0x1000] =	vst v63  }
0x46: {  	s28 =	sadd.s32 $0x200, s18;
	s30 =	sadd.s32 $0x280, s18;
	s26 =	sor.u32 $0x400, s13  }
0x47: {  	[hbm4b:s28+s3] =	stream.linear.scatter [tilespmem:s26], [sflag:s10], $0x80, $0x38;
	[tilespmem:$0x1000] =	vst v63  }
0x48: {  	s25 =	sshll.u32 s22, $0xA;
	s0 =	sadd.s32 $0x300, s18;
	s29 =	sor.u32 $0x500, s13  }
0x49: {  	[hbm4b:s30+s3] =	stream.linear.scatter [tilespmem:s29], [sflag:s10], $0x80, $0x38;
	[tilespmem:$0x1000] =	vst v63  }
0x4a: {  	s15 =	sand.u32 $0xFFFFF800, s25;
	s31 =	sor.u32 $0x600, s13;
	s14 =	sshll.u32 s22, $0x7  }
0x4b: {  	[hbm4b:s0+s3] =	stream.linear.scatter [tilespmem:s31], [sflag:s10], $0x80, $0x38;
	[tilespmem:$0x1000] =	vst v63  }
0x4c: {  	s12 =	sor.u32 $0x700, s13;
	s13 =	sadd.s32 $0x380, s18;
	s14 =	sand.u32 $0x80, s14  }
0x4d: {  	[hbm4b:s13+s3] =	stream.linear.scatter [tilespmem:s12], [sflag:s10], $0x80, $0x38;
	[tilespmem:$0x1000] =	vst v63  }
0x4e: {  	s18 =	sadd.s32 $0x100030, s11;
	s13 =	sor.u32 s14, s15  }
0x4f: {  	[hbm4b:s18+s3] =	stream.linear.scatter [tilespmem:s13], [sflag:s10], $0x80, $0x38;
	[tilespmem:$0x1000] =	vst v63  }
0x50: {  	s19 =	sadd.s32 $0x80, s18;
	s14 =	sor.u32 $0x100, s13  }
0x51: {  	[hbm4b:s19+s3] =	stream.linear.scatter [tilespmem:s14], [sflag:s10], $0x80, $0x38;
	[tilespmem:$0x1000] =	vst v63  }
0x52: {  	s21 =	sadd.s32 $0x100, s18;
	s22 =	spop (v2sf);
	s20 =	sor.u32 $0x200, s13  }
0x53: {  	(v2sf) =	vpush v0, $0x5;
	[hbm4b:s21+s3] =	stream.linear.scatter [tilespmem:s20], [sflag:s10], $0x80, $0x38;
	[tilespmem:$0x1000] =	vst v63  }
0x54: {  	s24 =	sadd.s32 $0x180, s18;
	s23 =	sor.u32 $0x300, s13  }
0x55: {  	[hbm4b:s24+s3] =	stream.linear.scatter [tilespmem:s23], [sflag:s10], $0x80, $0x38;
	[tilespmem:$0x1000] =	vst v63  }
0x56: {  	s28 =	sadd.s32 $0x200, s18;
	s25 =	sshll.u32 s22, $0xA;
	s26 =	sor.u32 $0x400, s13  }
0x57: {  	[hbm4b:s28+s3] =	stream.linear.scatter [tilespmem:s26], [sflag:s10], $0x80, $0x38;
	[tilespmem:$0x1000] =	vst v63  }
0x58: {  	s30 =	sadd.s32 $0x280, s18;
	s0 =	sadd.s32 $0x300, s18;
	s29 =	sor.u32 $0x500, s13  }
0x59: {  	[hbm4b:s30+s3] =	stream.linear.scatter [tilespmem:s29], [sflag:s10], $0x80, $0x38;
	[tilespmem:$0x1000] =	vst v63  }
0x5a: {  	s15 =	sand.u32 $0xFFFFF800, s25;
	s31 =	sor.u32 $0x600, s13;
	s14 =	sshll.u32 s22, $0x7  }
0x5b: {  	[hbm4b:s0+s3] =	stream.linear.scatter [tilespmem:s31], [sflag:s10], $0x80, $0x38;
	[tilespmem:$0x1000] =	vst v63  }
0x5c: {  	s12 =	sor.u32 $0x700, s13;
	s13 =	sadd.s32 $0x380, s18;
	s14 =	sand.u32 $0x80, s14  }
0x5d: {  	[hbm4b:s13+s3] =	stream.linear.scatter [tilespmem:s12], [sflag:s10], $0x80, $0x38;
	[tilespmem:$0x1000] =	vst v63  }
0x5e: {  	s18 =	sadd.s32 $0x100040, s11;
	s13 =	sor.u32 s14, s15  }
0x5f: {  	[hbm4b:s18+s3] =	stream.linear.scatter [tilespmem:s13], [sflag:s10], $0x80, $0x38;
	[tilespmem:$0x1000] =	vst v63  }
0x60: {  	s19 =	sadd.s32 $0x80, s18;
	s14 =	sor.u32 $0x100, s13  }
0x61: {  	[hbm4b:s19+s3] =	stream.linear.scatter [tilespmem:s14], [sflag:s10], $0x80, $0x38;
	[tilespmem:$0x1000] =	vst v63  }
0x62: {  	s21 =	sadd.s32 $0x100, s18;
	s22 =	spop (v2sf);
	s20 =	sor.u32 $0x200, s13  }
0x63: {  	(v2sf) =	vpush v0, $0x6;
	[hbm4b:s21+s3] =	stream.linear.scatter [tilespmem:s20], [sflag:s10], $0x80, $0x38;
	[tilespmem:$0x1000] =	vst v63  }
0x64: {  	s24 =	sadd.s32 $0x180, s18;
	s23 =	sor.u32 $0x300, s13  }
0x65: {  	[hbm4b:s24+s3] =	stream.linear.scatter [tilespmem:s23], [sflag:s10], $0x80, $0x38;
	[tilespmem:$0x1000] =	vst v63  }
0x66: {  	s28 =	sadd.s32 $0x200, s18;
	s25 =	sshll.u32 s22, $0xA;
	s26 =	sor.u32 $0x400, s13  }
0x67: {  	[hbm4b:s28+s3] =	stream.linear.scatter [tilespmem:s26], [sflag:s10], $0x80, $0x38;
	[tilespmem:$0x1000] =	vst v63  }
0x68: {  	s30 =	sadd.s32 $0x280, s18;
	s0 =	sadd.s32 $0x300, s18;
	s29 =	sor.u32 $0x500, s13  }
0x69: {  	[hbm4b:s30+s3] =	stream.linear.scatter [tilespmem:s29], [sflag:s10], $0x80, $0x38;
	[tilespmem:$0x1000] =	vst v63  }
0x6a: {  	s15 =	sand.u32 $0xFFFFF800, s25;
	s31 =	sor.u32 $0x600, s13;
	s14 =	sshll.u32 s22, $0x7  }
0x6b: {  	[hbm4b:s0+s3] =	stream.linear.scatter [tilespmem:s31], [sflag:s10], $0x80, $0x38;
	[tilespmem:$0x1000] =	vst v63  }
0x6c: {  	s12 =	sor.u32 $0x700, s13;
	s13 =	sadd.s32 $0x380, s18;
	s14 =	sand.u32 $0x80, s14  }
0x6d: {  	[hbm4b:s13+s3] =	stream.linear.scatter [tilespmem:s12], [sflag:s10], $0x80, $0x38;
	[tilespmem:$0x1000] =	vst v63  }
0x6e: {  	s18 =	sadd.s32 $0x100050, s11;
	s13 =	sor.u32 s14, s15  }
0x6f: {  	[hbm4b:s18+s3] =	stream.linear.scatter [tilespmem:s13], [sflag:s10], $0x80, $0x38;
	[tilespmem:$0x1000] =	vst v63  }
0x70: {  	s19 =	sadd.s32 $0x80, s18;
	s14 =	sor.u32 $0x100, s13  }
0x71: {  	[hbm4b:s19+s3] =	stream.linear.scatter [tilespmem:s14], [sflag:s10], $0x80, $0x38;
	[tilespmem:$0x1000] =	vst v63  }
0x72: {  	s21 =	sadd.s32 $0x100, s18;
	s22 =	spop (v2sf);
	s20 =	sor.u32 $0x200, s13  }
0x73: {  	(v2sf) =	vpush v0, $0x7;
	[hbm4b:s21+s3] =	stream.linear.scatter [tilespmem:s20], [sflag:s10], $0x80, $0x38;
	[tilespmem:$0x1000] =	vst v63  }
0x74: {  	s24 =	sadd.s32 $0x180, s18;
	s23 =	sor.u32 $0x300, s13  }
0x75: {  	[hbm4b:s24+s3] =	stream.linear.scatter [tilespmem:s23], [sflag:s10], $0x80, $0x38;
	[tilespmem:$0x1000] =	vst v63  }
0x76: {  	s25 =	sshll.u32 s22, $0xA;
	s28 =	sadd.s32 $0x200, s18;
	s26 =	sor.u32 $0x400, s13  }
0x77: {  	[hbm4b:s28+s3] =	stream.linear.scatter [tilespmem:s26], [sflag:s10], $0x80, $0x38;
	[tilespmem:$0x1000] =	vst v63  }
0x78: {  	s30 =	sadd.s32 $0x280, s18;
	s0 =	sadd.s32 $0x300, s18;
	s29 =	sor.u32 $0x500, s13  }
0x79: {  	[hbm4b:s30+s3] =	stream.linear.scatter [tilespmem:s29], [sflag:s10], $0x80, $0x38;
	[tilespmem:$0x1000] =	vst v63  }
0x7a: {  	s15 =	sand.u32 $0xFFFFF800, s25;
	s31 =	sor.u32 $0x600, s13;
	s14 =	sshll.u32 s22, $0x7  }
0x7b: {  	[hbm4b:s0+s3] =	stream.linear.scatter [tilespmem:s31], [sflag:s10], $0x80, $0x38;
	[tilespmem:$0x1000] =	vst v63  }
0x7c: {  	s12 =	sor.u32 $0x700, s13;
	s13 =	sadd.s32 $0x380, s18;
	s14 =	sand.u32 $0x80, s14  }
0x7d: {  	[hbm4b:s13+s3] =	stream.linear.scatter [tilespmem:s12], [sflag:s10], $0x80, $0x38;
	[tilespmem:$0x1000] =	vst v63  }
0x7e: {  	s18 =	sadd.s32 $0x100060, s11;
	s13 =	sor.u32 s14, s15  }
0x7f: {  	[hbm4b:s18+s3] =	stream.linear.scatter [tilespmem:s13], [sflag:s10], $0x80, $0x38;
	[tilespmem:$0x1000] =	vst v63  }
0x80: {  	s19 =	sadd.s32 $0x80, s18;
	s14 =	sor.u32 $0x100, s13  }
0x81: {  	[hbm4b:s19+s3] =	stream.linear.scatter [tilespmem:s14], [sflag:s10], $0x80, $0x38;
	[tilespmem:$0x1000] =	vst v63  }
0x82: {  	s21 =	sadd.s32 $0x100, s18;
	s22 =	spop (v2sf);
	s20 =	sor.u32 $0x200, s13  }
0x83: {  	(v2sf) =	vpush v0, $0x8;
	[hbm4b:s21+s3] =	stream.linear.scatter [tilespmem:s20], [sflag:s10], $0x80, $0x38;
	[tilespmem:$0x1000] =	vst v63  }
0x84: {  	s24 =	sadd.s32 $0x180, s18;
	s23 =	sor.u32 $0x300, s13  }
0x85: {  	[hbm4b:s24+s3] =	stream.linear.scatter [tilespmem:s23], [sflag:s10], $0x80, $0x38;
	[tilespmem:$0x1000] =	vst v63  }
0x86: {  	s25 =	sshll.u32 s22, $0xA;
	s28 =	sadd.s32 $0x200, s18;
	s26 =	sor.u32 $0x400, s13  }
0x87: {  	[hbm4b:s28+s3] =	stream.linear.scatter [tilespmem:s26], [sflag:s10], $0x80, $0x38;
	[tilespmem:$0x1000] =	vst v63  }
0x88: {  	s30 =	sadd.s32 $0x280, s18;
	s0 =	sadd.s32 $0x300, s18;
	s29 =	sor.u32 $0x500, s13  }
0x89: {  	[hbm4b:s30+s3] =	stream.linear.scatter [tilespmem:s29], [sflag:s10], $0x80, $0x38;
	[tilespmem:$0x1000] =	vst v63  }
0x8a: {  	s15 =	sand.u32 $0xFFFFF800, s25;
	s31 =	sor.u32 $0x600, s13;
	s14 =	sshll.u32 s22, $0x7  }
0x8b: {  	[hbm4b:s0+s3] =	stream.linear.scatter [tilespmem:s31], [sflag:s10], $0x80, $0x38;
	[tilespmem:$0x1000] =	vst v63  }
0x8c: {  	s12 =	sor.u32 $0x700, s13;
	s13 =	sadd.s32 $0x380, s18;
	s14 =	sand.u32 $0x80, s14  }
0x8d: {  	[hbm4b:s13+s3] =	stream.linear.scatter [tilespmem:s12], [sflag:s10], $0x80, $0x38;
	[tilespmem:$0x1000] =	vst v63  }
0x8e: {  	s18 =	sadd.s32 $0x100070, s11;
	s13 =	sor.u32 s14, s15  }
0x8f: {  	[hbm4b:s18+s3] =	stream.linear.scatter [tilespmem:s13], [sflag:s10], $0x80, $0x38;
	[tilespmem:$0x1000] =	vst v63  }
0x90: {  	s19 =	sadd.s32 $0x80, s18;
	s14 =	sor.u32 $0x100, s13  }
0x91: {  	[hbm4b:s19+s3] =	stream.linear.scatter [tilespmem:s14], [sflag:s10], $0x80, $0x38;
	[tilespmem:$0x1000] =	vst v63  }
0x92: {  	s21 =	sadd.s32 $0x100, s18;
	s22 =	spop (v2sf);
	s20 =	sor.u32 $0x200, s13  }
0x93: {  	(v2sf) =	vpush v0, $0x9;
	[hbm4b:s21+s3] =	stream.linear.scatter [tilespmem:s20], [sflag:s10], $0x80, $0x38;
	[tilespmem:$0x1000] =	vst v63  }
0x94: {  	s24 =	sadd.s32 $0x180, s18;
	s23 =	sor.u32 $0x300, s13  }
0x95: {  	[hbm4b:s24+s3] =	stream.linear.scatter [tilespmem:s23], [sflag:s10], $0x80, $0x38;
	[tilespmem:$0x1000] =	vst v63  }
0x96: {  	s25 =	sshll.u32 s22, $0xA;
	s28 =	sadd.s32 $0x200, s18;
	s26 =	sor.u32 $0x400, s13  }
0x97: {  	[hbm4b:s28+s3] =	stream.linear.scatter [tilespmem:s26], [sflag:s10], $0x80, $0x38;
	[tilespmem:$0x1000] =	vst v63  }
0x98: {  	s30 =	sadd.s32 $0x280, s18;
	s0 =	sadd.s32 $0x300, s18;
	s29 =	sor.u32 $0x500, s13  }
0x99: {  	[hbm4b:s30+s3] =	stream.linear.scatter [tilespmem:s29], [sflag:s10], $0x80, $0x38;
	[tilespmem:$0x1000] =	vst v63  }
0x9a: {  	s15 =	sand.u32 $0xFFFFF800, s25;
	s31 =	sor.u32 $0x600, s13;
	s14 =	sshll.u32 s22, $0x7  }
0x9b: {  	[hbm4b:s0+s3] =	stream.linear.scatter [tilespmem:s31], [sflag:s10], $0x80, $0x38;
	[tilespmem:$0x1000] =	vst v63  }
0x9c: {  	s12 =	sor.u32 $0x700, s13;
	s13 =	sadd.s32 $0x380, s18;
	s14 =	sand.u32 $0x80, s14  }
0x9d: {  	[hbm4b:s13+s3] =	stream.linear.scatter [tilespmem:s12], [sflag:s10], $0x80, $0x38;
	[tilespmem:$0x1000] =	vst v63  }
0x9e: {  	s18 =	sadd.s32 $0x100400, s11;
	s13 =	sor.u32 s14, s15  }
0x9f: {  	[hbm4b:s18+s3] =	stream.linear.scatter [tilespmem:s13], [sflag:s10], $0x80, $0x38;
	[tilespmem:$0x1000] =	vst v63  }
0xa0: {  	s19 =	sadd.s32 $0x80, s18;
	s14 =	sor.u32 $0x100, s13  }
0xa1: {  	[hbm4b:s19+s3] =	stream.linear.scatter [tilespmem:s14], [sflag:s10], $0x80, $0x38;
	[tilespmem:$0x1000] =	vst v63  }
0xa2: {  	s21 =	sadd.s32 $0x100, s18;
	s22 =	spop (v2sf);
	s20 =	sor.u32 $0x200, s13  }
0xa3: {  	(v2sf) =	vpush v0, $0xA;
	[hbm4b:s21+s3] =	stream.linear.scatter [tilespmem:s20], [sflag:s10], $0x80, $0x38;
	[tilespmem:$0x1000] =	vst v63  }
0xa4: {  	s24 =	sadd.s32 $0x180, s18;
	s23 =	sor.u32 $0x300, s13  }
0xa5: {  	[hbm4b:s24+s3] =	stream.linear.scatter [tilespmem:s23], [sflag:s10], $0x80, $0x38;
	[tilespmem:$0x1000] =	vst v63  }
0xa6: {  	s25 =	sshll.u32 s22, $0xA;
	s28 =	sadd.s32 $0x200, s18;
	s26 =	sor.u32 $0x400, s13  }
0xa7: {  	[hbm4b:s28+s3] =	stream.linear.scatter [tilespmem:s26], [sflag:s10], $0x80, $0x38;
	[tilespmem:$0x1000] =	vst v63  }
0xa8: {  	s30 =	sadd.s32 $0x280, s18;
	s0 =	sadd.s32 $0x300, s18;
	s29 =	sor.u32 $0x500, s13  }
0xa9: {  	[hbm4b:s30+s3] =	stream.linear.scatter [tilespmem:s29], [sflag:s10], $0x80, $0x38;
	[tilespmem:$0x1000] =	vst v63  }
0xaa: {  	s15 =	sand.u32 $0xFFFFF800, s25;
	s31 =	sor.u32 $0x600, s13;
	s14 =	sshll.u32 s22, $0x7  }
0xab: {  	[hbm4b:s0+s3] =	stream.linear.scatter [tilespmem:s31], [sflag:s10], $0x80, $0x38;
	[tilespmem:$0x1000] =	vst v63  }
0xac: {  	s12 =	sor.u32 $0x700, s13;
	s13 =	sadd.s32 $0x380, s18;
	s14 =	sand.u32 $0x80, s14  }
0xad: {  	[hbm4b:s13+s3] =	stream.linear.scatter [tilespmem:s12], [sflag:s10], $0x80, $0x38;
	[tilespmem:$0x1000] =	vst v63  }
0xae: {  	s18 =	sadd.s32 $0x100410, s11;
	s13 =	sor.u32 s14, s15  }
0xaf: {  	[hbm4b:s18+s3] =	stream.linear.scatter [tilespmem:s13], [sflag:s10], $0x80, $0x38;
	[tilespmem:$0x1000] =	vst v63  }
0xb0: {  	s19 =	sadd.s32 $0x80, s18;
	s14 =	sor.u32 $0x100, s13  }
0xb1: {  	[hbm4b:s19+s3] =	stream.linear.scatter [tilespmem:s14], [sflag:s10], $0x80, $0x38;
	[tilespmem:$0x1000] =	vst v63  }
0xb2: {  	s22 =	spop (v2sf);
	s21 =	sadd.s32 $0x100, s18;
	s20 =	sor.u32 $0x200, s13  }
0xb3: {  	(v2sf) =	vpush v0, $0xB;
	[hbm4b:s21+s3] =	stream.linear.scatter [tilespmem:s20], [sflag:s10], $0x80, $0x38;
	[tilespmem:$0x1000] =	vst v63  }
0xb4: {  	s24 =	sadd.s32 $0x180, s18;
	s23 =	sor.u32 $0x300, s13  }
0xb5: {  	[hbm4b:s24+s3] =	stream.linear.scatter [tilespmem:s23], [sflag:s10], $0x80, $0x38;
	[tilespmem:$0x1000] =	vst v63  }
0xb6: {  	s25 =	sshll.u32 s22, $0xA;
	s28 =	sadd.s32 $0x200, s18;
	s26 =	sor.u32 $0x400, s13  }
0xb7: {  	[hbm4b:s28+s3] =	stream.linear.scatter [tilespmem:s26], [sflag:s10], $0x80, $0x38;
	[tilespmem:$0x1000] =	vst v63  }
0xb8: {  	s30 =	sadd.s32 $0x280, s18;
	s0 =	sadd.s32 $0x300, s18;
	s29 =	sor.u32 $0x500, s13  }
0xb9: {  	[hbm4b:s30+s3] =	stream.linear.scatter [tilespmem:s29], [sflag:s10], $0x80, $0x38;
	[tilespmem:$0x1000] =	vst v63  }
0xba: {  	s15 =	sand.u32 $0xFFFFF800, s25;
	s31 =	sor.u32 $0x600, s13;
	s14 =	sshll.u32 s22, $0x7  }
0xbb: {  	[hbm4b:s0+s3] =	stream.linear.scatter [tilespmem:s31], [sflag:s10], $0x80, $0x38;
	[tilespmem:$0x1000] =	vst v63  }
0xbc: {  	s12 =	sor.u32 $0x700, s13;
	s13 =	sadd.s32 $0x380, s18;
	s14 =	sand.u32 $0x80, s14  }
0xbd: {  	[hbm4b:s13+s3] =	stream.linear.scatter [tilespmem:s12], [sflag:s10], $0x80, $0x38;
	[tilespmem:$0x1000] =	vst v63  }
0xbe: {  	s18 =	sadd.s32 $0x100420, s11;
	s13 =	sor.u32 s14, s15  }
0xbf: {  	[hbm4b:s18+s3] =	stream.linear.scatter [tilespmem:s13], [sflag:s10], $0x80, $0x38;
	[tilespmem:$0x1000] =	vst v63  }
0xc0: {  	s19 =	sadd.s32 $0x80, s18;
	s14 =	sor.u32 $0x100, s13  }
0xc1: {  	[hbm4b:s19+s3] =	stream.linear.scatter [tilespmem:s14], [sflag:s10], $0x80, $0x38;
	[tilespmem:$0x1000] =	vst v63  }
0xc2: {  	s22 =	spop (v2sf);
	s21 =	sadd.s32 $0x100, s18;
	s20 =	sor.u32 $0x200, s13  }
0xc3: {  	(v2sf) =	vpush v0, $0xC;
	[hbm4b:s21+s3] =	stream.linear.scatter [tilespmem:s20], [sflag:s10], $0x80, $0x38;
	[tilespmem:$0x1000] =	vst v63  }
0xc4: {  	s24 =	sadd.s32 $0x180, s18;
	s23 =	sor.u32 $0x300, s13  }
0xc5: {  	[hbm4b:s24+s3] =	stream.linear.scatter [tilespmem:s23], [sflag:s10], $0x80, $0x38;
	[tilespmem:$0x1000] =	vst v63  }
0xc6: {  	s25 =	sshll.u32 s22, $0xA;
	s28 =	sadd.s32 $0x200, s18;
	s26 =	sor.u32 $0x400, s13  }
0xc7: {  	[hbm4b:s28+s3] =	stream.linear.scatter [tilespmem:s26], [sflag:s10], $0x80, $0x38;
	[tilespmem:$0x1000] =	vst v63  }
0xc8: {  	s30 =	sadd.s32 $0x280, s18;
	s0 =	sadd.s32 $0x300, s18;
	s29 =	sor.u32 $0x500, s13  }
0xc9: {  	[hbm4b:s30+s3] =	stream.linear.scatter [tilespmem:s29], [sflag:s10], $0x80, $0x38;
	[tilespmem:$0x1000] =	vst v63  }
0xca: {  	s15 =	sand.u32 $0xFFFFF800, s25;
	s31 =	sor.u32 $0x600, s13;
	s14 =	sshll.u32 s22, $0x7  }
0xcb: {  	[hbm4b:s0+s3] =	stream.linear.scatter [tilespmem:s31], [sflag:s10], $0x80, $0x38;
	[tilespmem:$0x1000] =	vst v63  }
0xcc: {  	s12 =	sor.u32 $0x700, s13;
	s13 =	sadd.s32 $0x380, s18;
	s14 =	sand.u32 $0x80, s14  }
0xcd: {  	[hbm4b:s13+s3] =	stream.linear.scatter [tilespmem:s12], [sflag:s10], $0x80, $0x38;
	[tilespmem:$0x1000] =	vst v63  }
0xce: {  	s18 =	sadd.s32 $0x100430, s11;
	s13 =	sor.u32 s14, s15  }
0xcf: {  	[hbm4b:s18+s3] =	stream.linear.scatter [tilespmem:s13], [sflag:s10], $0x80, $0x38;
	[tilespmem:$0x1000] =	vst v63  }
0xd0: {  	s19 =	sadd.s32 $0x80, s18;
	s14 =	sor.u32 $0x100, s13  }
0xd1: {  	[hbm4b:s19+s3] =	stream.linear.scatter [tilespmem:s14], [sflag:s10], $0x80, $0x38;
	[tilespmem:$0x1000] =	vst v63  }
0xd2: {  	s22 =	spop (v2sf);
	s21 =	sadd.s32 $0x100, s18;
	s20 =	sor.u32 $0x200, s13  }
0xd3: {  	(v2sf) =	vpush v0, $0xD;
	[hbm4b:s21+s3] =	stream.linear.scatter [tilespmem:s20], [sflag:s10], $0x80, $0x38;
	[tilespmem:$0x1000] =	vst v63  }
0xd4: {  	s24 =	sadd.s32 $0x180, s18;
	s23 =	sor.u32 $0x300, s13  }
0xd5: {  	[hbm4b:s24+s3] =	stream.linear.scatter [tilespmem:s23], [sflag:s10], $0x80, $0x38;
	[tilespmem:$0x1000] =	vst v63  }
0xd6: {  	s25 =	sshll.u32 s22, $0xA;
	s28 =	sadd.s32 $0x200, s18;
	s26 =	sor.u32 $0x400, s13  }
0xd7: {  	[hbm4b:s28+s3] =	stream.linear.scatter [tilespmem:s26], [sflag:s10], $0x80, $0x38;
	[tilespmem:$0x1000] =	vst v63  }
0xd8: {  	s30 =	sadd.s32 $0x280, s18;
	s0 =	sadd.s32 $0x300, s18;
	s29 =	sor.u32 $0x500, s13  }
0xd9: {  	[hbm4b:s30+s3] =	stream.linear.scatter [tilespmem:s29], [sflag:s10], $0x80, $0x38;
	[tilespmem:$0x1000] =	vst v63  }
0xda: {  	s15 =	sand.u32 $0xFFFFF800, s25;
	s31 =	sor.u32 $0x600, s13;
	s14 =	sshll.u32 s22, $0x7  }
0xdb: {  	[hbm4b:s0+s3] =	stream.linear.scatter [tilespmem:s31], [sflag:s10], $0x80, $0x38;
	[tilespmem:$0x1000] =	vst v63  }
0xdc: {  	s12 =	sor.u32 $0x700, s13;
	s13 =	sadd.s32 $0x380, s18;
	s14 =	sand.u32 $0x80, s14  }
0xdd: {  	[hbm4b:s13+s3] =	stream.linear.scatter [tilespmem:s12], [sflag:s10], $0x80, $0x38;
	[tilespmem:$0x1000] =	vst v63  }
0xde: {  	s18 =	sadd.s32 $0x100440, s11;
	s13 =	sor.u32 s14, s15  }
0xdf: {  	[hbm4b:s18+s3] =	stream.linear.scatter [tilespmem:s13], [sflag:s10], $0x80, $0x38;
	[tilespmem:$0x1000] =	vst v63  }
0xe0: {  	s19 =	sadd.s32 $0x80, s18;
	s14 =	sor.u32 $0x100, s13  }
0xe1: {  	[hbm4b:s19+s3] =	stream.linear.scatter [tilespmem:s14], [sflag:s10], $0x80, $0x38;
	[tilespmem:$0x1000] =	vst v63  }
0xe2: {  	s22 =	spop (v2sf);
	s21 =	sadd.s32 $0x100, s18;
	s20 =	sor.u32 $0x200, s13  }
0xe3: {  	(v2sf) =	vpush v0, $0xE;
	[hbm4b:s21+s3] =	stream.linear.scatter [tilespmem:s20], [sflag:s10], $0x80, $0x38;
	[tilespmem:$0x1000] =	vst v63  }
0xe4: {  	s24 =	sadd.s32 $0x180, s18;
	s23 =	sor.u32 $0x300, s13  }
0xe5: {  	[hbm4b:s24+s3] =	stream.linear.scatter [tilespmem:s23], [sflag:s10], $0x80, $0x38;
	[tilespmem:$0x1000] =	vst v63  }
0xe6: {  	s25 =	sshll.u32 s22, $0xA;
	s28 =	sadd.s32 $0x200, s18;
	s26 =	sor.u32 $0x400, s13  }
0xe7: {  	[hbm4b:s28+s3] =	stream.linear.scatter [tilespmem:s26], [sflag:s10], $0x80, $0x38;
	[tilespmem:$0x1000] =	vst v63  }
0xe8: {  	s30 =	sadd.s32 $0x280, s18;
	s0 =	sadd.s32 $0x300, s18;
	s29 =	sor.u32 $0x500, s13  }
0xe9: {  	[hbm4b:s30+s3] =	stream.linear.scatter [tilespmem:s29], [sflag:s10], $0x80, $0x38;
	[tilespmem:$0x1000] =	vst v63  }
0xea: {  	s15 =	sand.u32 $0xFFFFF800, s25;
	s31 =	sor.u32 $0x600, s13;
	s14 =	sshll.u32 s22, $0x7  }
0xeb: {  	[hbm4b:s0+s3] =	stream.linear.scatter [tilespmem:s31], [sflag:s10], $0x80, $0x38;
	[tilespmem:$0x1000] =	vst v63  }
0xec: {  	s12 =	sor.u32 $0x700, s13;
	s13 =	sadd.s32 $0x380, s18;
	s14 =	sand.u32 $0x80, s14  }
0xed: {  	[hbm4b:s13+s3] =	stream.linear.scatter [tilespmem:s12], [sflag:s10], $0x80, $0x38;
	[tilespmem:$0x1000] =	vst v63  }
0xee: {  	s0 =	sadd.s32 $0x100450, s11;
	s13 =	sor.u32 s14, s15  }
0xef: {  	[hbm4b:s0+s3] =	stream.linear.scatter [tilespmem:s13], [sflag:s10], $0x80, $0x38;
	[tilespmem:$0x1000] =	vst v63  }
0xf0: {  	s18 =	sadd.s32 $0x80, s0;
	s14 =	sor.u32 $0x100, s13  }
0xf1: {  	[hbm4b:s18+s3] =	stream.linear.scatter [tilespmem:s14], [sflag:s10], $0x80, $0x38;
	[tilespmem:$0x1000] =	vst v63  }
0xf2: {  	s21 =	spop (v2sf);
	s20 =	sadd.s32 $0x100, s0;
	s19 =	sor.u32 $0x200, s13  }
0xf3: {  	(v2sf) =	vpush v0, $0xF;
	[hbm4b:s20+s3] =	stream.linear.scatter [tilespmem:s19], [sflag:s10], $0x80, $0x38;
	[tilespmem:$0x1000] =	vst v63  }
0xf4: {  	s23 =	sadd.s32 $0x180, s0;
	s22 =	sor.u32 $0x300, s13  }
0xf5: {  	[hbm4b:s23+s3] =	stream.linear.scatter [tilespmem:s22], [sflag:s10], $0x80, $0x38;
	[tilespmem:$0x1000] =	vst v63  }
0xf6: {  	s24 =	sshll.u32 s21, $0xA;
	s26 =	sadd.s32 $0x200, s0;
	s25 =	sor.u32 $0x400, s13  }
0xf7: {  	[hbm4b:s26+s3] =	stream.linear.scatter [tilespmem:s25], [sflag:s10], $0x80, $0x38;
	[tilespmem:$0x1000] =	vst v63  }
0xf8: {  	s29 =	sadd.s32 $0x280, s0;
	s31 =	sadd.s32 $0x300, s0;
	s28 =	sor.u32 $0x500, s13  }
0xf9: {  	[hbm4b:s29+s3] =	stream.linear.scatter [tilespmem:s28], [sflag:s10], $0x80, $0x38;
	[tilespmem:$0x1000] =	vst v63  }
0xfa: {  	s15 =	sand.u32 $0xFFFFF800, s24;
	s30 =	sor.u32 $0x600, s13;
	s14 =	sshll.u32 s21, $0x7  }
0xfb: {  	[hbm4b:s31+s3] =	stream.linear.scatter [tilespmem:s30], [sflag:s10], $0x80, $0x38;
	[tilespmem:$0x1000] =	vst v63  }
0xfc: {  	s12 =	sor.u32 $0x700, s13;
	s13 =	sadd.s32 $0x380, s0;
	s14 =	sand.u32 $0x80, s14  }
0xfd: {  	[hbm4b:s13+s3] =	stream.linear.scatter [tilespmem:s12], [sflag:s10], $0x80, $0x38;
	[tilespmem:$0x1000] =	vst v63  }
0xfe: {  	p6 =	por $0x1, $0x1;
	s0 =	sadd.s32 $0x100460, s11;
	s12 =	sor.u32 s14, s15  }
0xff: {  	[hbm4b:s0+s3] =	stream.linear.scatter [tilespmem:s12], [sflag:s10], $0x80, $0x38;
	[tilespmem:$0x1000] =	vst v63  }
0x100: {  	p0 =	por p6, p6;
	s18 =	sadd.s32 $0x80, s0;
	s14 =	sor.u32 $0x100, s12  }
0x101: {  	[hbm4b:s18+s3] =	stream.linear.scatter [tilespmem:s14], [sflag:s10], $0x80, $0x38;
	[tilespmem:$0x1000] =	vst v63  }
0x102: {  	s21 =	spop (v2sf);
	s20 =	sadd.s32 $0x100, s0;
	s19 =	sor.u32 $0x200, s12  }
0x103: {  	[hbm4b:s20+s3] =	stream.linear.scatter [tilespmem:s19], [sflag:s10], $0x80, $0x38;
	[tilespmem:$0x1000] =	vst v63  }
0x104: {  	s24 =	sshll.u32 s21, $0xA;
	s23 =	sadd.s32 $0x180, s0;
	s22 =	sor.u32 $0x300, s12  }
0x105: {  	[hbm4b:s23+s3] =	stream.linear.scatter [tilespmem:s22], [sflag:s10], $0x80, $0x38;
	[tilespmem:$0x1000] =	vst v63  }
0x106: {  	s26 =	sadd.s32 $0x200, s0;
	s29 =	sadd.s32 $0x280, s0;
	s25 =	sor.u32 $0x400, s12  }
0x107: {  	[hbm4b:s26+s3] =	stream.linear.scatter [tilespmem:s25], [sflag:s10], $0x80, $0x38;
	[tilespmem:$0x1000] =	vst v63  }
0x108: {  	s31 =	sadd.s32 $0x300, s0;
	s13 =	sadd.s32 $0x380, s0;
	s28 =	sor.u32 $0x500, s12  }
0x109: {  	[hbm4b:s29+s3] =	stream.linear.scatter [tilespmem:s28], [sflag:s10], $0x80, $0x38;
	[tilespmem:$0x1000] =	vst v63  }
0x10a: {  	s15 =	sand.u32 $0xFFFFF800, s24;
	s30 =	sor.u32 $0x600, s12;
	s14 =	sshll.u32 s21, $0x7  }
0x10b: {  	[hbm4b:s31+s3] =	stream.linear.scatter [tilespmem:s30], [sflag:s10], $0x80, $0x38;
	[tilespmem:$0x1000] =	vst v63  }
0x10c: {  	s24 =	simm.s32 $0x1;
	s12 =	sor.u32 $0x700, s12;
	s14 =	sand.u32 $0x80, s14  }
0x10d: {  	[hbm4b:s13+s3] =	stream.linear.scatter [tilespmem:s12], [sflag:s10], $0x80, $0x38;
	[tilespmem:$0x1000] =	vst v63  }
0x10e: {  	s17 =	sand.u32 $0x1, s24;
	s0 =	sadd.s32 $0x100470, s11;
	s15 =	sor.u32 s14, s15  }
0x10f: {  	[hbm4b:s0+s3] =	stream.linear.scatter [tilespmem:s15], [sflag:s10], $0x80, $0x38;
	[tilespmem:$0x1000] =	vst v63  }
0x110: {  	s11 =	simm.s32 $0x800;
	s19 =	sadd.s32 $0x80, s0;
	s18 =	sor.u32 $0x100, s15  }
0x111: {  	[hbm4b:s19+s3] =	stream.linear.scatter [tilespmem:s18], [sflag:s10], $0x80, $0x38;
	[tilespmem:$0x1000] =	vst v63  }
0x112: {  	s16 =	sadd.s32 $0x380, s0;
	s21 =	sadd.s32 $0x100, s0;
	s20 =	sor.u32 $0x200, s15  }
0x113: {  	[hbm4b:s21+s3] =	stream.linear.scatter [tilespmem:s20], [sflag:s10], $0x80, $0x38;
	[tilespmem:$0x1000] =	vst v63  }
0x114: {  	s14 =	simm.s32 $0x2;
	s22 =	sor.u32 $0x300, s15;
	s23 =	sadd.s32 $0x180, s0  }
0x115: {  	[hbm4b:s23+s3] =	stream.linear.scatter [tilespmem:s22], [sflag:s10], $0x80, $0x38;
	[tilespmem:$0x1000] =	vst v63  }
0x116: {  	s25 =	sor.u32 $0x400, s15;
	s26 =	sadd.s32 $0x200, s0;
	s28 =	sor.u32 $0x500, s15  }
0x117: {  	[hbm4b:s26+s3] =	stream.linear.scatter [tilespmem:s25], [sflag:s10], $0x80, $0x38;
	[tilespmem:$0x1000] =	vst v63  }
0x118: {  	s29 =	sadd.s32 $0x280, s0;
	s30 =	sor.u32 $0x600, s15;
	s31 =	sadd.s32 $0x300, s0  }
0x119: {  	[hbm4b:s29+s3] =	stream.linear.scatter [tilespmem:s28], [sflag:s10], $0x80, $0x38;
	[tilespmem:$0x1000] =	vst v63  }
0x11a: {  	s13 =	simm.s32 $0x1000;
	s12 =	simm.s32 $0x880;
	s15 =	sor.u32 $0x700, s15  }
0x11b: {  	[hbm4b:s31+s3] =	stream.linear.scatter [tilespmem:s30], [sflag:s10], $0x80, $0x38;
	[tilespmem:$0x1000] =	vst v63  }
.LBB2_2:
0x11c: {  	[hbm4b:s16+s3] =	stream.linear.scatter [tilespmem:s15], [sflag:s10], $0x80, $0x38;
	[tilespmem:$0x1000] =	vst v63  }
0x11d: {  	s10 =	sadd.s32 @!p0 $0x1, s17  }
0x11e: {  	_ =	swait.ge @!p0 [sflag:s10], $0x4000  }
0x11f: {  	[sflag:s10] =	ssyncset.done @!p0 $0x0  }
0x120: {  	[sflag:s10] =	ssyncadd.s32 @!p0 $0xFFFFC000  }
0x121: {  	v0 =	vld [tilespmem:s12+$0x0];
	_ =	sdelay $0x4  }
0x122: {  	(v2sf) =	vpush v0, $0x0;
	_ =	sdelay $0x4  }
0x123: {  	(v2sf) =	vpush v0, $0x1;
	_ =	sdelay $0x5  }
0x124: {  	(v2sf) =	vpush v0, $0x2;
	_ =	sdelay $0x1  }
0x125: {  	s29 =	rddreg [dreg:$0x4]  }
0x126: {  	s18 =	smov.u32 s13;
	s15 =	sadd.s32 s11, s29  }
0x127: {  	s11 =	smov.u32 s18;
	s10 =	sadd.s32 $0x1, s17;
	s30 =	spop (v2sf)  }
0x128: {  	s18 =	sadd.s32 $0x100000, s15;
	s19 =	sshll.u32 s30, $0xA;
	s17 =	sshll.u32 s30, $0x7  }
0x129: {  	s22 =	sadd.s32 $0x80, s18;
	s19 =	sand.u32 $0xFFFFF800, s19;
	s17 =	sand.u32 $0x80, s17  }
0x12a: {  	s24 =	sadd.s32 $0x100, s18;
	s26 =	sadd.s32 $0x180, s18;
	s19 =	sor.u32 s17, s19  }
0x12b: {  	[hbm4b:s18+s3] =	stream.linear.scatter [tilespmem:s19], [sflag:s10], $0x80, $0x38;
	[tilespmem:$0x1000] =	vst v63  }
0x12c: {  	s20 =	spop (v2sf);
	s30 =	sadd.s32 $0x200, s18;
	s0 =	sor.u32 $0x100, s19  }
0x12d: {  	(v2sf) =	vpush v0, $0x3;
	[hbm4b:s22+s3] =	stream.linear.scatter [tilespmem:s0], [sflag:s10], $0x80, $0x38;
	[tilespmem:$0x1000] =	vst v63  }
0x12e: {  	s21 =	sshll.u32 s20, $0xA;
	s20 =	sshll.u32 s20, $0x7;
	s23 =	sor.u32 $0x200, s19  }
0x12f: {  	[hbm4b:s24+s3] =	stream.linear.scatter [tilespmem:s23], [sflag:s10], $0x80, $0x38;
	[tilespmem:$0x1000] =	vst v63  }
0x130: {  	s31 =	sand.u32 $0xFFFFF800, s21;
	s20 =	sand.u32 $0x80, s20;
	s25 =	sor.u32 $0x300, s19  }
0x131: {  	[hbm4b:s26+s3] =	stream.linear.scatter [tilespmem:s25], [sflag:s10], $0x80, $0x38;
	[tilespmem:$0x1000] =	vst v63  }
0x132: {  	s28 =	spop (v2sf);
	s17 =	sor.u32 s20, s31;
	s29 =	sor.u32 $0x400, s19  }
0x133: {  	(v2sf) =	vpush v0, $0x4;
	[hbm4b:s30+s3] =	stream.linear.scatter [tilespmem:s29], [sflag:s10], $0x80, $0x38;
	[tilespmem:$0x1000] =	vst v63  }
0x134: {  	s31 =	sor.u32 $0x500, s19;
	s21 =	sor.u32 $0x600, s19;
	s0 =	sadd.s32 $0x280, s18  }
0x135: {  	[hbm4b:s0+s3] =	stream.linear.scatter [tilespmem:s31], [sflag:s10], $0x80, $0x38;
	[tilespmem:$0x1000] =	vst v63  }
0x136: {  	s19 =	sor.u32 $0x700, s19;
	s22 =	sshll.u32 s28, $0x7;
	s24 =	sadd.s32 $0x300, s18  }
0x137: {  	[hbm4b:s24+s3] =	stream.linear.scatter [tilespmem:s21], [sflag:s10], $0x80, $0x38;
	[tilespmem:$0x1000] =	vst v63  }
0x138: {  	s22 =	sand.u32 $0x80, s22;
	s23 =	sshll.u32 s28, $0xA;
	s18 =	sadd.s32 $0x380, s18  }
0x139: {  	[hbm4b:s18+s3] =	stream.linear.scatter [tilespmem:s19], [sflag:s10], $0x80, $0x38;
	[tilespmem:$0x1000] =	vst v63  }
0x13a: {  	s28 =	sor.u32 $0x100, s17;
	s23 =	sand.u32 $0xFFFFF800, s23;
	s21 =	sadd.s32 $0x100010, s15  }
0x13b: {  	[hbm4b:s21+s3] =	stream.linear.scatter [tilespmem:s17], [sflag:s10], $0x80, $0x38;
	[tilespmem:$0x1000] =	vst v63  }
0x13c: {  	s29 =	sor.u32 $0x200, s17;
	s25 =	spop (v2sf);
	s24 =	sadd.s32 $0x80, s21  }
0x13d: {  	[hbm4b:s24+s3] =	stream.linear.scatter [tilespmem:s28], [sflag:s10], $0x80, $0x38;
	[tilespmem:$0x1000] =	vst v63  }
0x13e: {  	s31 =	sor.u32 $0x300, s17;
	s26 =	sshll.u32 s25, $0xA;
	s30 =	sadd.s32 $0x100, s21  }
0x13f: {  	(v2sf) =	vpush v0, $0x5;
	[hbm4b:s30+s3] =	stream.linear.scatter [tilespmem:s29], [sflag:s10], $0x80, $0x38;
	[tilespmem:$0x1000] =	vst v63  }
0x140: {  	s0 =	sadd.s32 $0x180, s21;
	s18 =	sshll.u32 s25, $0x7;
	s19 =	sand.u32 $0xFFFFF800, s26  }
0x141: {  	[hbm4b:s0+s3] =	stream.linear.scatter [tilespmem:s31], [sflag:s10], $0x80, $0x38;
	[tilespmem:$0x1000] =	vst v63  }
0x142: {  	s25 =	spop (v2sf);
	s24 =	sor.u32 $0x400, s17;
	s28 =	sadd.s32 $0x200, s21  }
0x143: {  	[hbm4b:s28+s3] =	stream.linear.scatter [tilespmem:s24], [sflag:s10], $0x80, $0x38;
	[tilespmem:$0x1000] =	vst v63  }
0x144: {  	s26 =	sshll.u32 s25, $0xA;
	s29 =	sor.u32 $0x500, s17;
	s30 =	sadd.s32 $0x280, s21  }
0x145: {  	[hbm4b:s30+s3] =	stream.linear.scatter [tilespmem:s29], [sflag:s10], $0x80, $0x38;
	[tilespmem:$0x1000] =	vst v63  }
0x146: {  	s25 =	sshll.u32 s25, $0x7;
	s31 =	sor.u32 $0x600, s17;
	s0 =	sadd.s32 $0x300, s21  }
0x147: {  	[hbm4b:s0+s3] =	stream.linear.scatter [tilespmem:s31], [sflag:s10], $0x80, $0x38;
	[tilespmem:$0x1000] =	vst v63  }
0x148: {  	s26 =	sand.u32 $0xFFFFF800, s26;
	s17 =	sor.u32 $0x700, s17;
	s21 =	sadd.s32 $0x380, s21  }
0x149: {  	[hbm4b:s21+s3] =	stream.linear.scatter [tilespmem:s17], [sflag:s10], $0x80, $0x38;
	[tilespmem:$0x1000] =	vst v63  }
0x14a: {  	s25 =	sand.u32 $0x80, s25;
	s21 =	sor.u32 s22, s23;
	s22 =	sadd.s32 $0x100020, s15  }
0x14b: {  	[hbm4b:s22+s3] =	stream.linear.scatter [tilespmem:s21], [sflag:s10], $0x80, $0x38;
	[tilespmem:$0x1000] =	vst v63  }
0x14c: {  	s17 =	sor.u32 s25, s26;
	s24 =	sor.u32 $0x100, s21;
	s25 =	sadd.s32 $0x80, s22  }
0x14d: {  	(v2sf) =	vpush v0, $0x6;
	[hbm4b:s25+s3] =	stream.linear.scatter [tilespmem:s24], [sflag:s10], $0x80, $0x38;
	[tilespmem:$0x1000] =	vst v63  }
0x14e: {  	s26 =	spop (v2sf);
	s28 =	sor.u32 $0x200, s21;
	s29 =	sadd.s32 $0x100, s22  }
0x14f: {  	[hbm4b:s29+s3] =	stream.linear.scatter [tilespmem:s28], [sflag:s10], $0x80, $0x38;
	[tilespmem:$0x1000] =	vst v63  }
0x150: {  	s30 =	sshll.u32 s26, $0xA;
	s31 =	sor.u32 $0x300, s21;
	s0 =	sadd.s32 $0x180, s22  }
0x151: {  	[hbm4b:s0+s3] =	stream.linear.scatter [tilespmem:s31], [sflag:s10], $0x80, $0x38;
	[tilespmem:$0x1000] =	vst v63  }
0x152: {  	s23 =	sor.u32 $0x400, s21;
	s24 =	sshll.u32 s26, $0x7;
	s26 =	sadd.s32 $0x200, s22  }
0x153: {  	[hbm4b:s26+s3] =	stream.linear.scatter [tilespmem:s23], [sflag:s10], $0x80, $0x38;
	[tilespmem:$0x1000] =	vst v63  }
0x154: {  	s18 =	sand.u32 $0x80, s18;
	s28 =	sor.u32 $0x500, s21;
	s29 =	sadd.s32 $0x280, s22  }
0x155: {  	[hbm4b:s29+s3] =	stream.linear.scatter [tilespmem:s28], [sflag:s10], $0x80, $0x38;
	[tilespmem:$0x1000] =	vst v63  }
0x156: {  	s25 =	sand.u32 $0xFFFFF800, s30;
	s30 =	sor.u32 $0x600, s21;
	s31 =	sadd.s32 $0x300, s22  }
0x157: {  	(v2sf) =	vpush v0, $0x7;
	[hbm4b:s31+s3] =	stream.linear.scatter [tilespmem:s30], [sflag:s10], $0x80, $0x38;
	[tilespmem:$0x1000] =	vst v63  }
0x158: {  	s24 =	sand.u32 $0x80, s24;
	s21 =	sor.u32 $0x700, s21;
	s22 =	sadd.s32 $0x380, s22  }
0x159: {  	[hbm4b:s22+s3] =	stream.linear.scatter [tilespmem:s21], [sflag:s10], $0x80, $0x38;
	[tilespmem:$0x1000] =	vst v63  }
0x15a: {  	s18 =	sor.u32 s18, s19;
	s20 =	sor.u32 s24, s25;
	s21 =	sadd.s32 $0x100030, s15  }
0x15b: {  	[hbm4b:s21+s3] =	stream.linear.scatter [tilespmem:s18], [sflag:s10], $0x80, $0x38;
	[tilespmem:$0x1000] =	vst v63  }
0x15c: {  	s0 =	spop (v2sf);
	s23 =	sor.u32 $0x100, s18;
	s24 =	sadd.s32 $0x80, s21  }
0x15d: {  	[hbm4b:s24+s3] =	stream.linear.scatter [tilespmem:s23], [sflag:s10], $0x80, $0x38;
	[tilespmem:$0x1000] =	vst v63  }
0x15e: {  	s25 =	sshll.u32 s0, $0xA;
	s26 =	sor.u32 $0x200, s18;
	s28 =	sadd.s32 $0x100, s21  }
0x15f: {  	[hbm4b:s28+s3] =	stream.linear.scatter [tilespmem:s26], [sflag:s10], $0x80, $0x38;
	[tilespmem:$0x1000] =	vst v63  }
0x160: {  	s19 =	sshll.u32 s0, $0x7;
	s29 =	sor.u32 $0x300, s18;
	s30 =	sadd.s32 $0x180, s21  }
0x161: {  	[hbm4b:s30+s3] =	stream.linear.scatter [tilespmem:s29], [sflag:s10], $0x80, $0x38;
	[tilespmem:$0x1000] =	vst v63  }
0x162: {  	s19 =	sand.u32 $0x80, s19;
	s31 =	sor.u32 $0x400, s18;
	s0 =	sadd.s32 $0x200, s21  }
0x163: {  	(v2sf) =	vpush v0, $0x8;
	[hbm4b:s0+s3] =	stream.linear.scatter [tilespmem:s31], [sflag:s10], $0x80, $0x38;
	[tilespmem:$0x1000] =	vst v63  }
0x164: {  	s24 =	sand.u32 $0xFFFFF800, s25;
	s25 =	sor.u32 $0x500, s18;
	s26 =	sadd.s32 $0x280, s21  }
0x165: {  	[hbm4b:s26+s3] =	stream.linear.scatter [tilespmem:s25], [sflag:s10], $0x80, $0x38;
	[tilespmem:$0x1000] =	vst v63  }
0x166: {  	s28 =	sor.u32 $0x600, s18;
	s29 =	sadd.s32 $0x300, s21;
	s30 =	spop (v2sf)  }
0x167: {  	[hbm4b:s29+s3] =	stream.linear.scatter [tilespmem:s28], [sflag:s10], $0x80, $0x38;
	[tilespmem:$0x1000] =	vst v63  }
0x168: {  	s18 =	sor.u32 $0x700, s18;
	s21 =	sadd.s32 $0x380, s21;
	s31 =	sshll.u32 s30, $0xA  }
0x169: {  	[hbm4b:s21+s3] =	stream.linear.scatter [tilespmem:s18], [sflag:s10], $0x80, $0x38;
	[tilespmem:$0x1000] =	vst v63  }
0x16a: {  	s19 =	sor.u32 s19, s24;
	s0 =	sand.u32 $0xFFFFF800, s31;
	s21 =	sadd.s32 $0x100040, s15  }
0x16b: {  	(v2sf) =	vpush v0, $0x9;
	[hbm4b:s21+s3] =	stream.linear.scatter [tilespmem:s17], [sflag:s10], $0x80, $0x38;
	[tilespmem:$0x1000] =	vst v63  }
0x16c: {  	s25 =	sshll.u32 s30, $0x7;
	s26 =	sor.u32 $0x100, s17;
	s28 =	sadd.s32 $0x80, s21  }
0x16d: {  	[hbm4b:s28+s3] =	stream.linear.scatter [tilespmem:s26], [sflag:s10], $0x80, $0x38;
	[tilespmem:$0x1000] =	vst v63  }
0x16e: {  	s22 =	sand.u32 $0x80, s25;
	s29 =	sor.u32 $0x200, s17;
	s30 =	sadd.s32 $0x100, s21  }
0x16f: {  	[hbm4b:s30+s3] =	stream.linear.scatter [tilespmem:s29], [sflag:s10], $0x80, $0x38;
	[tilespmem:$0x1000] =	vst v63  }
0x170: {  	s31 =	sor.u32 $0x300, s17;
	s18 =	sor.u32 s22, s0;
	s0 =	sadd.s32 $0x180, s21  }
0x171: {  	[hbm4b:s0+s3] =	stream.linear.scatter [tilespmem:s31], [sflag:s10], $0x80, $0x38;
	[tilespmem:$0x1000] =	vst v63  }
0x172: {  	s24 =	spop (v2sf);
	s25 =	sor.u32 $0x400, s17;
	s26 =	sadd.s32 $0x200, s21  }
0x173: {  	[hbm4b:s26+s3] =	stream.linear.scatter [tilespmem:s25], [sflag:s10], $0x80, $0x38;
	[tilespmem:$0x1000] =	vst v63  }
0x174: {  	s28 =	sshll.u32 s24, $0xA;
	s29 =	sor.u32 $0x500, s17;
	s30 =	sadd.s32 $0x280, s21  }
0x175: {  	[hbm4b:s30+s3] =	stream.linear.scatter [tilespmem:s29], [sflag:s10], $0x80, $0x38;
	[tilespmem:$0x1000] =	vst v63  }
0x176: {  	s24 =	sshll.u32 s24, $0x7;
	s31 =	sor.u32 $0x600, s17;
	s0 =	sadd.s32 $0x300, s21  }
0x177: {  	[hbm4b:s0+s3] =	stream.linear.scatter [tilespmem:s31], [sflag:s10], $0x80, $0x38;
	[tilespmem:$0x1000] =	vst v63  }
0x178: {  	s17 =	sor.u32 $0x700, s17;
	s21 =	sadd.s32 $0x380, s21;
	s25 =	sand.u32 $0xFFFFF800, s28  }
0x179: {  	(v2sf) =	vpush v0, $0xA;
	[hbm4b:s21+s3] =	stream.linear.scatter [tilespmem:s17], [sflag:s10], $0x80, $0x38;
	[tilespmem:$0x1000] =	vst v63  }
0x17a: {  	s26 =	sand.u32 $0x80, s24;
	s28 =	spop (v2sf);
	s21 =	sadd.s32 $0x100050, s15  }
0x17b: {  	[hbm4b:s21+s3] =	stream.linear.scatter [tilespmem:s20], [sflag:s10], $0x80, $0x38;
	[tilespmem:$0x1000] =	vst v63  }
0x17c: {  	s22 =	sshll.u32 s28, $0x7;
	s29 =	sor.u32 $0x100, s20;
	s30 =	sadd.s32 $0x80, s21  }
0x17d: {  	[hbm4b:s30+s3] =	stream.linear.scatter [tilespmem:s29], [sflag:s10], $0x80, $0x38;
	[tilespmem:$0x1000] =	vst v63  }
0x17e: {  	s31 =	sor.u32 $0x200, s20;
	s17 =	sor.u32 s26, s25;
	s0 =	sadd.s32 $0x100, s21  }
0x17f: {  	[hbm4b:s0+s3] =	stream.linear.scatter [tilespmem:s31], [sflag:s10], $0x80, $0x38;
	[tilespmem:$0x1000] =	vst v63  }
0x180: {  	s25 =	sshll.u32 s28, $0xA;
	s26 =	sor.u32 $0x300, s20;
	s28 =	sadd.s32 $0x180, s21  }
0x181: {  	[hbm4b:s28+s3] =	stream.linear.scatter [tilespmem:s26], [sflag:s10], $0x80, $0x38;
	[tilespmem:$0x1000] =	vst v63  }
0x182: {  	s22 =	sand.u32 $0x80, s22;
	s29 =	sor.u32 $0x400, s20;
	s30 =	sadd.s32 $0x200, s21  }
0x183: {  	[hbm4b:s30+s3] =	stream.linear.scatter [tilespmem:s29], [sflag:s10], $0x80, $0x38;
	[tilespmem:$0x1000] =	vst v63  }
0x184: {  	s25 =	sand.u32 $0xFFFFF800, s25;
	s31 =	sor.u32 $0x500, s20;
	s0 =	sadd.s32 $0x280, s21  }
0x185: {  	(v2sf) =	vpush v0, $0xB;
	[hbm4b:s0+s3] =	stream.linear.scatter [tilespmem:s31], [sflag:s10], $0x80, $0x38;
	[tilespmem:$0x1000] =	vst v63  }
0x186: {  	s26 =	sor.u32 s22, s25;
	s28 =	sor.u32 $0x600, s20;
	s29 =	sadd.s32 $0x300, s21  }
0x187: {  	[hbm4b:s29+s3] =	stream.linear.scatter [tilespmem:s28], [sflag:s10], $0x80, $0x38;
	[tilespmem:$0x1000] =	vst v63  }
0x188: {  	s20 =	sor.u32 $0x700, s20;
	s30 =	spop (v2sf);
	s21 =	sadd.s32 $0x380, s21  }
0x189: {  	(v2sf) =	vpush v0, $0xC;
	[hbm4b:s21+s3] =	stream.linear.scatter [tilespmem:s20], [sflag:s10], $0x80, $0x38;
	[tilespmem:$0x1000] =	vst v63  }
0x18a: {  	s25 =	sor.u32 $0x100, s19;
	s24 =	sshll.u32 s30, $0x7;
	s20 =	sadd.s32 $0x100060, s15  }
0x18b: {  	[hbm4b:s20+s3] =	stream.linear.scatter [tilespmem:s19], [sflag:s10], $0x80, $0x38;
	[tilespmem:$0x1000] =	vst v63  }
0x18c: {  	s31 =	sshll.u32 s30, $0xA;
	s22 =	sand.u32 $0x80, s24;
	s28 =	sadd.s32 $0x80, s20  }
0x18d: {  	[hbm4b:s28+s3] =	stream.linear.scatter [tilespmem:s25], [sflag:s10], $0x80, $0x38;
	[tilespmem:$0x1000] =	vst v63  }
0x18e: {  	s0 =	sand.u32 $0xFFFFF800, s31;
	s29 =	sor.u32 $0x200, s19;
	s30 =	sadd.s32 $0x100, s20  }
0x18f: {  	[hbm4b:s30+s3] =	stream.linear.scatter [tilespmem:s29], [sflag:s10], $0x80, $0x38;
	[tilespmem:$0x1000] =	vst v63  }
0x190: {  	s31 =	sor.u32 $0x300, s19;
	s24 =	sor.u32 s22, s0;
	s0 =	sadd.s32 $0x180, s20  }
0x191: {  	[hbm4b:s0+s3] =	stream.linear.scatter [tilespmem:s31], [sflag:s10], $0x80, $0x38;
	[tilespmem:$0x1000] =	vst v63  }
0x192: {  	s22 =	sor.u32 $0x400, s19;
	s25 =	sadd.s32 $0x200, s20  }
0x193: {  	[hbm4b:s25+s3] =	stream.linear.scatter [tilespmem:s22], [sflag:s10], $0x80, $0x38;
	[tilespmem:$0x1000] =	vst v63  }
0x194: {  	s23 =	spop (v2sf);
	s29 =	sor.u32 $0x500, s19;
	s30 =	sadd.s32 $0x280, s20  }
0x195: {  	(v2sf) =	vpush v0, $0xD;
	[hbm4b:s30+s3] =	stream.linear.scatter [tilespmem:s29], [sflag:s10], $0x80, $0x38;
	[tilespmem:$0x1000] =	vst v63  }
0x196: {  	s28 =	sshll.u32 s23, $0xA;
	s31 =	sor.u32 $0x600, s19;
	s0 =	sadd.s32 $0x300, s20  }
0x197: {  	[hbm4b:s0+s3] =	stream.linear.scatter [tilespmem:s31], [sflag:s10], $0x80, $0x38;
	[tilespmem:$0x1000] =	vst v63  }
0x198: {  	s19 =	sor.u32 $0x700, s19;
	s20 =	sadd.s32 $0x380, s20;
	s22 =	spop (v2sf)  }
0x199: {  	[hbm4b:s20+s3] =	stream.linear.scatter [tilespmem:s19], [sflag:s10], $0x80, $0x38;
	[tilespmem:$0x1000] =	vst v63  }
0x19a: {  	s25 =	sor.u32 $0x100, s18;
	s21 =	sshll.u32 s22, $0x7;
	s19 =	sadd.s32 $0x100070, s15  }
0x19b: {  	[hbm4b:s19+s3] =	stream.linear.scatter [tilespmem:s18], [sflag:s10], $0x80, $0x38;
	[tilespmem:$0x1000] =	vst v63  }
0x19c: {  	s29 =	sshll.u32 s23, $0x7;
	s23 =	sshll.u32 s22, $0xA;
	s30 =	sadd.s32 $0x80, s19  }
0x19d: {  	(v2sf) =	vpush v0, $0xE;
	[hbm4b:s30+s3] =	stream.linear.scatter [tilespmem:s25], [sflag:s10], $0x80, $0x38;
	[tilespmem:$0x1000] =	vst v63  }
0x19e: {  	s21 =	sand.u32 $0x80, s21;
	s31 =	sor.u32 $0x200, s18;
	s0 =	sadd.s32 $0x100, s19  }
0x19f: {  	[hbm4b:s0+s3] =	stream.linear.scatter [tilespmem:s31], [sflag:s10], $0x80, $0x38;
	[tilespmem:$0x1000] =	vst v63  }
0x1a0: {  	s22 =	sor.u32 $0x500, s18;
	s25 =	sor.u32 $0x300, s18;
	s30 =	sadd.s32 $0x180, s19  }
0x1a1: {  	[hbm4b:s30+s3] =	stream.linear.scatter [tilespmem:s25], [sflag:s10], $0x80, $0x38;
	[tilespmem:$0x1000] =	vst v63  }
0x1a2: {  	s20 =	sand.u32 $0xFFFFF800, s23;
	s31 =	sor.u32 $0x400, s18;
	s0 =	sadd.s32 $0x200, s19  }
0x1a3: {  	[hbm4b:s0+s3] =	stream.linear.scatter [tilespmem:s31], [sflag:s10], $0x80, $0x38;
	[tilespmem:$0x1000] =	vst v63  }
0x1a4: {  	s23 =	spop (v2sf);
	s20 =	sor.u32 s21, s20;
	s30 =	sadd.s32 $0x280, s19  }
0x1a5: {  	[hbm4b:s30+s3] =	stream.linear.scatter [tilespmem:s22], [sflag:s10], $0x80, $0x38;
	[tilespmem:$0x1000] =	vst v63  }
0x1a6: {  	s25 =	sshll.u32 s23, $0xA;
	s31 =	sor.u32 $0x600, s18;
	s0 =	sadd.s32 $0x300, s19  }
0x1a7: {  	[hbm4b:s0+s3] =	stream.linear.scatter [tilespmem:s31], [sflag:s10], $0x80, $0x38;
	[tilespmem:$0x1000] =	vst v63  }
0x1a8: {  	s18 =	sor.u32 $0x700, s18;
	s19 =	sadd.s32 $0x380, s19;
	s30 =	sshll.u32 s23, $0x7  }
0x1a9: {  	(v2sf) =	vpush v0, $0xF;
	[hbm4b:s19+s3] =	stream.linear.scatter [tilespmem:s18], [sflag:s10], $0x80, $0x38;
	[tilespmem:$0x1000] =	vst v63  }
0x1aa: {  	s23 =	sand.u32 $0xFFFFF800, s25;
	s22 =	sor.u32 $0x200, s17;
	s19 =	sadd.s32 $0x100400, s15  }
0x1ab: {  	[hbm4b:s19+s3] =	stream.linear.scatter [tilespmem:s17], [sflag:s10], $0x80, $0x38;
	[tilespmem:$0x1000] =	vst v63  }
0x1ac: {  	s31 =	sor.u32 $0x100, s17;
	s18 =	spop (v2sf);
	s0 =	sadd.s32 $0x80, s19  }
0x1ad: {  	[hbm4b:s0+s3] =	stream.linear.scatter [tilespmem:s31], [sflag:s10], $0x80, $0x38;
	[tilespmem:$0x1000] =	vst v63  }
0x1ae: {  	s25 =	sand.u32 $0x80, s30;
	s30 =	sshll.u32 s18, $0xA;
	s31 =	sadd.s32 $0x100, s19  }
0x1af: {  	[hbm4b:s31+s3] =	stream.linear.scatter [tilespmem:s22], [sflag:s10], $0x80, $0x38;
	[tilespmem:$0x1000] =	vst v63  }
0x1b0: {  	s18 =	sshll.u32 s18, $0x7;
	s0 =	sor.u32 $0x300, s17;
	s31 =	sadd.s32 $0x180, s19  }
0x1b1: {  	[hbm4b:s31+s3] =	stream.linear.scatter [tilespmem:s0], [sflag:s10], $0x80, $0x38;
	[tilespmem:$0x1000] =	vst v63  }
0x1b2: {  	s21 =	sand.u32 $0x80, s18;
	s18 =	sor.u32 $0x400, s17;
	s0 =	sadd.s32 $0x200, s19  }
0x1b3: {  	[hbm4b:s0+s3] =	stream.linear.scatter [tilespmem:s18], [sflag:s10], $0x80, $0x38;
	[tilespmem:$0x1000] =	vst v63  }
0x1b4: {  	s16 =	sand.u32 $0x1, s14;
	s18 =	sor.u32 $0x500, s17;
	s0 =	sadd.s32 $0x280, s19  }
0x1b5: {  	[hbm4b:s0+s3] =	stream.linear.scatter [tilespmem:s18], [sflag:s10], $0x80, $0x38;
	[tilespmem:$0x1000] =	vst v63  }
0x1b6: {  	s22 =	sand.u32 $0xFFFFF800, s30;
	s30 =	sor.u32 $0x600, s17;
	s0 =	sadd.s32 $0x300, s19  }
0x1b7: {  	[hbm4b:s0+s3] =	stream.linear.scatter [tilespmem:s30], [sflag:s10], $0x80, $0x38;
	[tilespmem:$0x1000] =	vst v63  }
0x1b8: {  	s31 =	spop (v2sf);
	s17 =	sor.u32 $0x700, s17;
	s30 =	sadd.s32 $0x380, s19  }
0x1b9: {  	[hbm4b:s30+s3] =	stream.linear.scatter [tilespmem:s17], [sflag:s10], $0x80, $0x38;
	[tilespmem:$0x1000] =	vst v63  }
0x1ba: {  	s18 =	sshll.u32 s31, $0xA;
	s19 =	sshll.u32 s31, $0x7;
	s0 =	sadd.s32 $0x100410, s15  }
0x1bb: {  	[hbm4b:s0+s3] =	stream.linear.scatter [tilespmem:s26], [sflag:s10], $0x80, $0x38;
	[tilespmem:$0x1000] =	vst v63  }
0x1bc: {  	s31 =	sadd.s32 $0x80, s0;
	s17 =	smov.u32 s16;
	s16 =	sor.u32 $0x100, s26  }
0x1bd: {  	[hbm4b:s31+s3] =	stream.linear.scatter [tilespmem:s16], [sflag:s10], $0x80, $0x38;
	[tilespmem:$0x1000] =	vst v63  }
0x1be: {  	s16 =	sor.u32 $0x200, s26;
	s31 =	sadd.s32 $0x100, s0  }
0x1bf: {  	[hbm4b:s31+s3] =	stream.linear.scatter [tilespmem:s16], [sflag:s10], $0x80, $0x38;
	[tilespmem:$0x1000] =	vst v63  }
0x1c0: {  	s16 =	sor.u32 $0x300, s26;
	s31 =	sadd.s32 $0x180, s0  }
0x1c1: {  	[hbm4b:s31+s3] =	stream.linear.scatter [tilespmem:s16], [sflag:s10], $0x80, $0x38;
	[tilespmem:$0x1000] =	vst v63  }
0x1c2: {  	s16 =	sor.u32 $0x400, s26;
	s31 =	sadd.s32 $0x200, s0  }
0x1c3: {  	[hbm4b:s31+s3] =	stream.linear.scatter [tilespmem:s16], [sflag:s10], $0x80, $0x38;
	[tilespmem:$0x1000] =	vst v63  }
0x1c4: {  	s16 =	sor.u32 $0x500, s26;
	s31 =	sadd.s32 $0x280, s0  }
0x1c5: {  	[hbm4b:s31+s3] =	stream.linear.scatter [tilespmem:s16], [sflag:s10], $0x80, $0x38;
	[tilespmem:$0x1000] =	vst v63  }
0x1c6: {  	s16 =	sor.u32 $0x600, s26;
	s31 =	sadd.s32 $0x300, s0  }
0x1c7: {  	[hbm4b:s31+s3] =	stream.linear.scatter [tilespmem:s16], [sflag:s10], $0x80, $0x38;
	[tilespmem:$0x1000] =	vst v63  }
0x1c8: {  	s26 =	sor.u32 $0x700, s26;
	s0 =	sadd.s32 $0x380, s0  }
0x1c9: {  	[hbm4b:s0+s3] =	stream.linear.scatter [tilespmem:s26], [sflag:s10], $0x80, $0x38;
	[tilespmem:$0x1000] =	vst v63  }
0x1ca: {  	s0 =	sadd.s32 $0x100420, s15  }
0x1cb: {  	[hbm4b:s0+s3] =	stream.linear.scatter [tilespmem:s24], [sflag:s10], $0x80, $0x38;
	[tilespmem:$0x1000] =	vst v63  }
0x1cc: {  	s30 =	sor.u32 $0x100, s24;
	s31 =	sadd.s32 $0x80, s0  }
0x1cd: {  	[hbm4b:s31+s3] =	stream.linear.scatter [tilespmem:s30], [sflag:s10], $0x80, $0x38;
	[tilespmem:$0x1000] =	vst v63  }
0x1ce: {  	s30 =	sor.u32 $0x200, s24;
	s31 =	sadd.s32 $0x100, s0  }
0x1cf: {  	[hbm4b:s31+s3] =	stream.linear.scatter [tilespmem:s30], [sflag:s10], $0x80, $0x38;
	[tilespmem:$0x1000] =	vst v63  }
0x1d0: {  	s30 =	sor.u32 $0x300, s24;
	s31 =	sadd.s32 $0x180, s0  }
0x1d1: {  	[hbm4b:s31+s3] =	stream.linear.scatter [tilespmem:s30], [sflag:s10], $0x80, $0x38;
	[tilespmem:$0x1000] =	vst v63  }
0x1d2: {  	s30 =	sor.u32 $0x400, s24;
	s31 =	sadd.s32 $0x200, s0  }
0x1d3: {  	[hbm4b:s31+s3] =	stream.linear.scatter [tilespmem:s30], [sflag:s10], $0x80, $0x38;
	[tilespmem:$0x1000] =	vst v63  }
0x1d4: {  	s30 =	sor.u32 $0x500, s24;
	s31 =	sadd.s32 $0x280, s0  }
0x1d5: {  	[hbm4b:s31+s3] =	stream.linear.scatter [tilespmem:s30], [sflag:s10], $0x80, $0x38;
	[tilespmem:$0x1000] =	vst v63  }
0x1d6: {  	s28 =	sand.u32 $0xFFFFF800, s28;
	s30 =	sor.u32 $0x600, s24;
	s31 =	sadd.s32 $0x300, s0  }
0x1d7: {  	[hbm4b:s31+s3] =	stream.linear.scatter [tilespmem:s30], [sflag:s10], $0x80, $0x38;
	[tilespmem:$0x1000] =	vst v63  }
0x1d8: {  	s26 =	sand.u32 $0x80, s29;
	s24 =	sor.u32 $0x700, s24;
	s0 =	sadd.s32 $0x380, s0  }
0x1d9: {  	[hbm4b:s0+s3] =	stream.linear.scatter [tilespmem:s24], [sflag:s10], $0x80, $0x38;
	[tilespmem:$0x1000] =	vst v63  }
0x1da: {  	s16 =	sadd.s32 $0x100430, s15;
	s0 =	sor.u32 s26, s28  }
0x1db: {  	[hbm4b:s16+s3] =	stream.linear.scatter [tilespmem:s0], [sflag:s10], $0x80, $0x38;
	[tilespmem:$0x1000] =	vst v63  }
0x1dc: {  	s29 =	sadd.s32 $0x80, s16;
	s24 =	sor.u32 $0x100, s0  }
0x1dd: {  	[hbm4b:s29+s3] =	stream.linear.scatter [tilespmem:s24], [sflag:s10], $0x80, $0x38;
	[tilespmem:$0x1000] =	vst v63  }
0x1de: {  	s31 =	sadd.s32 $0x100, s16;
	s30 =	sor.u32 $0x200, s0  }
0x1df: {  	[hbm4b:s31+s3] =	stream.linear.scatter [tilespmem:s30], [sflag:s10], $0x80, $0x38;
	[tilespmem:$0x1000] =	vst v63  }
0x1e0: {  	s28 =	sor.u32 $0x300, s0;
	s29 =	sadd.s32 $0x180, s16  }
0x1e1: {  	[hbm4b:s29+s3] =	stream.linear.scatter [tilespmem:s28], [sflag:s10], $0x80, $0x38;
	[tilespmem:$0x1000] =	vst v63  }
0x1e2: {  	s30 =	sor.u32 $0x400, s0;
	s31 =	sadd.s32 $0x200, s16  }
0x1e3: {  	[hbm4b:s31+s3] =	stream.linear.scatter [tilespmem:s30], [sflag:s10], $0x80, $0x38;
	[tilespmem:$0x1000] =	vst v63  }
0x1e4: {  	s28 =	sor.u32 $0x500, s0;
	s29 =	sadd.s32 $0x280, s16  }
0x1e5: {  	[hbm4b:s29+s3] =	stream.linear.scatter [tilespmem:s28], [sflag:s10], $0x80, $0x38;
	[tilespmem:$0x1000] =	vst v63  }
0x1e6: {  	s30 =	sor.u32 $0x600, s0;
	s31 =	sadd.s32 $0x300, s16  }
0x1e7: {  	[hbm4b:s31+s3] =	stream.linear.scatter [tilespmem:s30], [sflag:s10], $0x80, $0x38;
	[tilespmem:$0x1000] =	vst v63  }
0x1e8: {  	s0 =	sor.u32 $0x700, s0;
	s16 =	sadd.s32 $0x380, s16  }
0x1e9: {  	[hbm4b:s16+s3] =	stream.linear.scatter [tilespmem:s0], [sflag:s10], $0x80, $0x38;
	[tilespmem:$0x1000] =	vst v63  }
0x1ea: {  	s0 =	sadd.s32 $0x100440, s15  }
0x1eb: {  	[hbm4b:s0+s3] =	stream.linear.scatter [tilespmem:s20], [sflag:s10], $0x80, $0x38;
	[tilespmem:$0x1000] =	vst v63  }
0x1ec: {  	s24 =	sor.u32 $0x100, s20;
	s26 =	sadd.s32 $0x80, s0  }
0x1ed: {  	[hbm4b:s26+s3] =	stream.linear.scatter [tilespmem:s24], [sflag:s10], $0x80, $0x38;
	[tilespmem:$0x1000] =	vst v63  }
0x1ee: {  	s28 =	sor.u32 $0x200, s20;
	s29 =	sadd.s32 $0x100, s0  }
0x1ef: {  	[hbm4b:s29+s3] =	stream.linear.scatter [tilespmem:s28], [sflag:s10], $0x80, $0x38;
	[tilespmem:$0x1000] =	vst v63  }
0x1f0: {  	s30 =	sor.u32 $0x300, s20;
	s31 =	sadd.s32 $0x180, s0  }
0x1f1: {  	[hbm4b:s31+s3] =	stream.linear.scatter [tilespmem:s30], [sflag:s10], $0x80, $0x38;
	[tilespmem:$0x1000] =	vst v63  }
0x1f2: {  	s24 =	sor.u32 $0x400, s20;
	s26 =	sadd.s32 $0x200, s0  }
0x1f3: {  	[hbm4b:s26+s3] =	stream.linear.scatter [tilespmem:s24], [sflag:s10], $0x80, $0x38;
	[tilespmem:$0x1000] =	vst v63  }
0x1f4: {  	s28 =	sor.u32 $0x500, s20;
	s29 =	sadd.s32 $0x280, s0  }
0x1f5: {  	[hbm4b:s29+s3] =	stream.linear.scatter [tilespmem:s28], [sflag:s10], $0x80, $0x38;
	[tilespmem:$0x1000] =	vst v63  }
0x1f6: {  	s30 =	sor.u32 $0x600, s20;
	s31 =	sadd.s32 $0x300, s0  }
0x1f7: {  	[hbm4b:s31+s3] =	stream.linear.scatter [tilespmem:s30], [sflag:s10], $0x80, $0x38;
	[tilespmem:$0x1000] =	vst v63  }
0x1f8: {  	s0 =	sadd.s32 $0x380, s0;
	s24 =	sor.u32 $0x700, s20  }
0x1f9: {  	[hbm4b:s0+s3] =	stream.linear.scatter [tilespmem:s24], [sflag:s10], $0x80, $0x38;
	[tilespmem:$0x1000] =	vst v63  }
0x1fa: {  	s16 =	sadd.s32 $0x100450, s15;
	s0 =	sor.u32 s25, s23  }
0x1fb: {  	[hbm4b:s16+s3] =	stream.linear.scatter [tilespmem:s0], [sflag:s10], $0x80, $0x38;
	[tilespmem:$0x1000] =	vst v63  }
0x1fc: {  	s26 =	sadd.s32 $0x80, s16;
	s25 =	sor.u32 $0x100, s0  }
0x1fd: {  	[hbm4b:s26+s3] =	stream.linear.scatter [tilespmem:s25], [sflag:s10], $0x80, $0x38;
	[tilespmem:$0x1000] =	vst v63  }
0x1fe: {  	s29 =	sadd.s32 $0x100, s16;
	s28 =	sor.u32 $0x200, s0  }
0x1ff: {  	[hbm4b:s29+s3] =	stream.linear.scatter [tilespmem:s28], [sflag:s10], $0x80, $0x38;
	[tilespmem:$0x1000] =	vst v63  }
0x200: {  	s31 =	sadd.s32 $0x180, s16;
	s30 =	sor.u32 $0x300, s0  }
0x201: {  	[hbm4b:s31+s3] =	stream.linear.scatter [tilespmem:s30], [sflag:s10], $0x80, $0x38;
	[tilespmem:$0x1000] =	vst v63  }
0x202: {  	s24 =	sadd.s32 $0x200, s16;
	s23 =	sor.u32 $0x400, s0  }
0x203: {  	[hbm4b:s24+s3] =	stream.linear.scatter [tilespmem:s23], [sflag:s10], $0x80, $0x38;
	[tilespmem:$0x1000] =	vst v63  }
0x204: {  	s25 =	sor.u32 $0x500, s0;
	s26 =	sadd.s32 $0x280, s16  }
0x205: {  	[hbm4b:s26+s3] =	stream.linear.scatter [tilespmem:s25], [sflag:s10], $0x80, $0x38;
	[tilespmem:$0x1000] =	vst v63  }
0x206: {  	s28 =	sor.u32 $0x600, s0;
	s29 =	sadd.s32 $0x300, s16  }
0x207: {  	[hbm4b:s29+s3] =	stream.linear.scatter [tilespmem:s28], [sflag:s10], $0x80, $0x38;
	[tilespmem:$0x1000] =	vst v63  }
0x208: {  	s0 =	sor.u32 $0x700, s0;
	s16 =	sadd.s32 $0x380, s16  }
0x209: {  	[hbm4b:s16+s3] =	stream.linear.scatter [tilespmem:s0], [sflag:s10], $0x80, $0x38;
	[tilespmem:$0x1000] =	vst v63  }
0x20a: {  	s0 =	sor.u32 s21, s22;
	s16 =	sadd.s32 $0x100460, s15  }
0x20b: {  	[hbm4b:s16+s3] =	stream.linear.scatter [tilespmem:s0], [sflag:s10], $0x80, $0x38;
	[tilespmem:$0x1000] =	vst v63  }
0x20c: {  	s30 =	sor.u32 $0x100, s0;
	s31 =	sadd.s32 $0x80, s16  }
0x20d: {  	[hbm4b:s31+s3] =	stream.linear.scatter [tilespmem:s30], [sflag:s10], $0x80, $0x38;
	[tilespmem:$0x1000] =	vst v63  }
0x20e: {  	s21 =	sor.u32 $0x200, s0;
	s22 =	sadd.s32 $0x100, s16  }
0x20f: {  	[hbm4b:s22+s3] =	stream.linear.scatter [tilespmem:s21], [sflag:s10], $0x80, $0x38;
	[tilespmem:$0x1000] =	vst v63  }
0x210: {  	s23 =	sor.u32 $0x300, s0;
	s24 =	sadd.s32 $0x180, s16  }
0x211: {  	[hbm4b:s24+s3] =	stream.linear.scatter [tilespmem:s23], [sflag:s10], $0x80, $0x38;
	[tilespmem:$0x1000] =	vst v63  }
0x212: {  	s25 =	sor.u32 $0x400, s0;
	s26 =	sadd.s32 $0x200, s16  }
0x213: {  	[hbm4b:s26+s3] =	stream.linear.scatter [tilespmem:s25], [sflag:s10], $0x80, $0x38;
	[tilespmem:$0x1000] =	vst v63  }
0x214: {  	s28 =	sor.u32 $0x500, s0;
	s29 =	sadd.s32 $0x280, s16  }
0x215: {  	[hbm4b:s29+s3] =	stream.linear.scatter [tilespmem:s28], [sflag:s10], $0x80, $0x38;
	[tilespmem:$0x1000] =	vst v63  }
0x216: {  	s18 =	sand.u32 $0xFFFFF800, s18;
	s30 =	sor.u32 $0x600, s0;
	s31 =	sadd.s32 $0x300, s16  }
0x217: {  	[hbm4b:s31+s3] =	stream.linear.scatter [tilespmem:s30], [sflag:s10], $0x80, $0x38;
	[tilespmem:$0x1000] =	vst v63  }
0x218: {  	s19 =	sand.u32 $0x80, s19;
	s16 =	sadd.s32 $0x380, s16;
	s0 =	sor.u32 $0x700, s0  }
0x219: {  	[hbm4b:s16+s3] =	stream.linear.scatter [tilespmem:s0], [sflag:s10], $0x80, $0x38;
	[tilespmem:$0x1000] =	vst v63  }
0x21a: {  	s0 =	sor.u32 s19, s18;
	s16 =	sadd.s32 $0x100470, s15  }
0x21b: {  	[hbm4b:s16+s3] =	stream.linear.scatter [tilespmem:s0], [sflag:s10], $0x80, $0x38;
	[tilespmem:$0x1000] =	vst v63  }
0x21c: {  	p2 =	slt.u32 s14, $0x2;
	s19 =	sor.u32 $0x100, s0;
	s20 =	sadd.s32 $0x80, s16  }
0x21d: {  	[hbm4b:s20+s3] =	stream.linear.scatter [tilespmem:s19], [sflag:s10], $0x80, $0x38;
	[tilespmem:$0x1000] =	vst v63  }
0x21e: {  	s13 =	sadd.s32 $0x800, s13;
	s21 =	sor.u32 $0x200, s0;
	s22 =	sadd.s32 $0x100, s16  }
0x21f: {  	[hbm4b:s22+s3] =	stream.linear.scatter [tilespmem:s21], [sflag:s10], $0x80, $0x38;
	[tilespmem:$0x1000] =	vst v63  }
0x220: {  	s14 =	sadd.s32 $0x1, s14;
	s23 =	sor.u32 $0x300, s0;
	s24 =	sadd.s32 $0x180, s16  }
0x221: {  	[hbm4b:s24+s3] =	stream.linear.scatter [tilespmem:s23], [sflag:s10], $0x80, $0x38;
	[tilespmem:$0x1000] =	vst v63  }
0x222: {  	p1 =	sne.s32 s13, $0x8000;
	s25 =	sor.u32 $0x400, s0;
	s26 =	sadd.s32 $0x200, s16  }
0x223: {  	[hbm4b:s26+s3] =	stream.linear.scatter [tilespmem:s25], [sflag:s10], $0x80, $0x38;
	[tilespmem:$0x1000] =	vst v63  }
.Ltmp0:
0x224: {  	p0 =	por p2, p2;
	s12 =	sadd.s32 $0x80, s12;
	(pc) =	sbr.rel @p1 .LBB2_2-.Ltmp0, $4  }
0x225: {  	s28 =	sor.u32 $0x500, s0;
	s29 =	sadd.s32 $0x280, s16;
	s30 =	sor.u32 $0x600, s0  }
0x226: {  	[hbm4b:s29+s3] =	stream.linear.scatter [tilespmem:s28], [sflag:s10], $0x80, $0x38;
	[tilespmem:$0x1000] =	vst v63  }
0x227: {  	s31 =	sadd.s32 $0x300, s16;
	s15 =	sor.u32 $0x700, s0;
	s16 =	sadd.s32 $0x380, s16  }
0x228: {  	[hbm4b:s31+s3] =	stream.linear.scatter [tilespmem:s30], [sflag:s10], $0x80, $0x38;
	[tilespmem:$0x1000] =	vst v63  }
0x229: {  	[hbm4b:s16+s3] =	stream.linear.scatter [tilespmem:s15], [sflag:s10], $0x80, $0x38;
	[tilespmem:$0x1000] =	vst v63  }
0x22a: {  	s0 =	sadd.s32 @!p0 $0x1, s17  }
0x22b: {  	_ =	swait.ge @!p0 [sflag:s0], $0x4000  }
0x22c: {  	[sflag:s0] =	ssyncset.done @!p0 $0x0  }
0x22d: {  	[sflag:s0] =	ssyncadd.s32 @!p0 $0xFFFFC000  }
0x22e: {  	v0 =	vld [tilespmem:s12+$0x0];
	_ =	sdelay $0x4  }
0x22f: {  	(v2sf) =	vpush v0, $0x0;
	_ =	sdelay $0xa  }
0x230: {  	(v2sf) =	vpush v0, $0x1;
	_ =	sdelay $0x3  }
0x231: {  	s14 =	spop (v2sf)  }
0x232: {  	s13 =	rddreg [dreg:$0x4];
	s15 =	sshll.u32 s14, $0xA;
	s10 =	sshll.u32 s14, $0x7  }
0x233: {  	s11 =	sadd.s32 s11, s13;
	s16 =	sand.u32 $0xFFFFF800, s15;
	s18 =	sand.u32 $0x80, s10  }
0x234: {  	s13 =	sadd.s32 $0x100000, s11;
	s10 =	sadd.s32 $0x1, s17;
	s0 =	sor.u32 s18, s16  }
0x235: {  	[hbm4b:s13+s3] =	stream.linear.scatter [tilespmem:s0], [sflag:s10], $0x80, $0x38;
	[tilespmem:$0x1000] =	vst v63  }
0x236: {  	s14 =	sadd.s32 $0x80, s13;
	s12 =	sor.u32 $0x100, s0  }
0x237: {  	[hbm4b:s14+s3] =	stream.linear.scatter [tilespmem:s12], [sflag:s10], $0x80, $0x38;
	[tilespmem:$0x1000] =	vst v63  }
0x238: {  	s20 =	sadd.s32 $0x100, s13;
	s19 =	sor.u32 $0x200, s0  }
0x239: {  	[hbm4b:s20+s3] =	stream.linear.scatter [tilespmem:s19], [sflag:s10], $0x80, $0x38;
	[tilespmem:$0x1000] =	vst v63  }
0x23a: {  	s23 =	sadd.s32 $0x180, s13;
	s26 =	sadd.s32 $0x200, s13;
	s22 =	sor.u32 $0x300, s0  }
0x23b: {  	(v2sf) =	vpush v0, $0x2;
	[hbm4b:s23+s3] =	stream.linear.scatter [tilespmem:s22], [sflag:s10], $0x80, $0x38;
	[tilespmem:$0x1000] =	vst v63  }
0x23c: {  	s29 =	sadd.s32 $0x280, s13;
	s21 =	spop (v2sf);
	s25 =	sor.u32 $0x400, s0  }
0x23d: {  	[hbm4b:s26+s3] =	stream.linear.scatter [tilespmem:s25], [sflag:s10], $0x80, $0x38;
	[tilespmem:$0x1000] =	vst v63  }
0x23e: {  	s31 =	sadd.s32 $0x300, s13;
	s24 =	sshll.u32 s21, $0xA;
	s28 =	sor.u32 $0x500, s0  }
0x23f: {  	[hbm4b:s29+s3] =	stream.linear.scatter [tilespmem:s28], [sflag:s10], $0x80, $0x38;
	[tilespmem:$0x1000] =	vst v63  }
0x240: {  	s30 =	sor.u32 $0x600, s0;
	s0 =	sor.u32 $0x700, s0;
	s12 =	sshll.u32 s21, $0x7  }
0x241: {  	[hbm4b:s31+s3] =	stream.linear.scatter [tilespmem:s30], [sflag:s10], $0x80, $0x38;
	[tilespmem:$0x1000] =	vst v63  }
0x242: {  	s13 =	sadd.s32 $0x380, s13;
	s14 =	sand.u32 $0xFFFFF800, s24;
	s12 =	sand.u32 $0x80, s12  }
0x243: {  	[hbm4b:s13+s3] =	stream.linear.scatter [tilespmem:s0], [sflag:s10], $0x80, $0x38;
	[tilespmem:$0x1000] =	vst v63  }
0x244: {  	s18 =	sadd.s32 $0x100010, s11;
	s12 =	sor.u32 s12, s14  }
0x245: {  	[hbm4b:s18+s3] =	stream.linear.scatter [tilespmem:s12], [sflag:s10], $0x80, $0x38;
	[tilespmem:$0x1000] =	vst v63  }
0x246: {  	s20 =	sadd.s32 $0x80, s18;
	s19 =	sor.u32 $0x100, s12  }
0x247: {  	[hbm4b:s20+s3] =	stream.linear.scatter [tilespmem:s19], [sflag:s10], $0x80, $0x38;
	[tilespmem:$0x1000] =	vst v63  }
0x248: {  	s21 =	sor.u32 $0x200, s12;
	s22 =	sadd.s32 $0x100, s18  }
0x249: {  	[hbm4b:s22+s3] =	stream.linear.scatter [tilespmem:s21], [sflag:s10], $0x80, $0x38;
	[tilespmem:$0x1000] =	vst v63  }
0x24a: {  	s24 =	sor.u32 $0x300, s12;
	s25 =	sadd.s32 $0x180, s18;
	s23 =	spop (v2sf)  }
0x24b: {  	(v2sf) =	vpush v0, $0x3;
	[hbm4b:s25+s3] =	stream.linear.scatter [tilespmem:s24], [sflag:s10], $0x80, $0x38;
	[tilespmem:$0x1000] =	vst v63  }
0x24c: {  	s17 =	sadd.s32 $0x300, s18;
	s28 =	sor.u32 $0x400, s12;
	s29 =	sadd.s32 $0x200, s18  }
0x24d: {  	[hbm4b:s29+s3] =	stream.linear.scatter [tilespmem:s28], [sflag:s10], $0x80, $0x38;
	[tilespmem:$0x1000] =	vst v63  }
0x24e: {  	s26 =	sshll.u32 s23, $0xA;
	s30 =	sor.u32 $0x500, s12;
	s31 =	sadd.s32 $0x280, s18  }
0x24f: {  	[hbm4b:s31+s3] =	stream.linear.scatter [tilespmem:s30], [sflag:s10], $0x80, $0x38;
	[tilespmem:$0x1000] =	vst v63  }
0x250: {  	s16 =	sor.u32 $0x600, s12;
	s14 =	sand.u32 $0xFFFFF800, s26;
	s13 =	sshll.u32 s23, $0x7  }
0x251: {  	[hbm4b:s17+s3] =	stream.linear.scatter [tilespmem:s16], [sflag:s10], $0x80, $0x38;
	[tilespmem:$0x1000] =	vst v63  }
0x252: {  	s0 =	sor.u32 $0x700, s12;
	s13 =	sand.u32 $0x80, s13;
	s12 =	sadd.s32 $0x380, s18  }
0x253: {  	[hbm4b:s12+s3] =	stream.linear.scatter [tilespmem:s0], [sflag:s10], $0x80, $0x38;
	[tilespmem:$0x1000] =	vst v63  }
0x254: {  	s18 =	sor.u32 s13, s14;
	s19 =	sadd.s32 $0x100020, s11  }
0x255: {  	[hbm4b:s19+s3] =	stream.linear.scatter [tilespmem:s18], [sflag:s10], $0x80, $0x38;
	[tilespmem:$0x1000] =	vst v63  }
0x256: {  	s13 =	sor.u32 $0x100, s18;
	s20 =	sadd.s32 $0x80, s19  }
0x257: {  	[hbm4b:s20+s3] =	stream.linear.scatter [tilespmem:s13], [sflag:s10], $0x80, $0x38;
	[tilespmem:$0x1000] =	vst v63  }
0x258: {  	s21 =	sor.u32 $0x200, s18;
	s22 =	sadd.s32 $0x100, s19  }
0x259: {  	[hbm4b:s22+s3] =	stream.linear.scatter [tilespmem:s21], [sflag:s10], $0x80, $0x38;
	[tilespmem:$0x1000] =	vst v63  }
0x25a: {  	s24 =	sor.u32 $0x300, s18;
	s25 =	sadd.s32 $0x180, s19;
	s23 =	spop (v2sf)  }
0x25b: {  	(v2sf) =	vpush v0, $0x4;
	[hbm4b:s25+s3] =	stream.linear.scatter [tilespmem:s24], [sflag:s10], $0x80, $0x38;
	[tilespmem:$0x1000] =	vst v63  }
0x25c: {  	s28 =	sor.u32 $0x400, s18;
	s29 =	sadd.s32 $0x200, s19;
	s26 =	sshll.u32 s23, $0xA  }
0x25d: {  	[hbm4b:s29+s3] =	stream.linear.scatter [tilespmem:s28], [sflag:s10], $0x80, $0x38;
	[tilespmem:$0x1000] =	vst v63  }
0x25e: {  	s30 =	sor.u32 $0x500, s18;
	s31 =	sadd.s32 $0x280, s19;
	s14 =	sand.u32 $0xFFFFF800, s26  }
0x25f: {  	[hbm4b:s31+s3] =	stream.linear.scatter [tilespmem:s30], [sflag:s10], $0x80, $0x38;
	[tilespmem:$0x1000] =	vst v63  }
0x260: {  	s16 =	sor.u32 $0x600, s18;
	s17 =	sadd.s32 $0x300, s19;
	s13 =	sshll.u32 s23, $0x7  }
0x261: {  	[hbm4b:s17+s3] =	stream.linear.scatter [tilespmem:s16], [sflag:s10], $0x80, $0x38;
	[tilespmem:$0x1000] =	vst v63  }
0x262: {  	s0 =	sor.u32 $0x700, s18;
	s12 =	sadd.s32 $0x380, s19;
	s13 =	sand.u32 $0x80, s13  }
0x263: {  	[hbm4b:s12+s3] =	stream.linear.scatter [tilespmem:s0], [sflag:s10], $0x80, $0x38;
	[tilespmem:$0x1000] =	vst v63  }
0x264: {  	s19 =	sadd.s32 $0x100030, s11;
	s18 =	sor.u32 s13, s14  }
0x265: {  	[hbm4b:s19+s3] =	stream.linear.scatter [tilespmem:s18], [sflag:s10], $0x80, $0x38;
	[tilespmem:$0x1000] =	vst v63  }
0x266: {  	s20 =	sadd.s32 $0x80, s19;
	s13 =	sor.u32 $0x100, s18  }
0x267: {  	[hbm4b:s20+s3] =	stream.linear.scatter [tilespmem:s13], [sflag:s10], $0x80, $0x38;
	[tilespmem:$0x1000] =	vst v63  }
0x268: {  	s22 =	sadd.s32 $0x100, s19;
	s21 =	sor.u32 $0x200, s18  }
0x269: {  	[hbm4b:s22+s3] =	stream.linear.scatter [tilespmem:s21], [sflag:s10], $0x80, $0x38;
	[tilespmem:$0x1000] =	vst v63  }
0x26a: {  	s24 =	sor.u32 $0x300, s18;
	s25 =	sadd.s32 $0x180, s19;
	s23 =	spop (v2sf)  }
0x26b: {  	(v2sf) =	vpush v0, $0x5;
	[hbm4b:s25+s3] =	stream.linear.scatter [tilespmem:s24], [sflag:s10], $0x80, $0x38;
	[tilespmem:$0x1000] =	vst v63  }
0x26c: {  	s28 =	sor.u32 $0x400, s18;
	s29 =	sadd.s32 $0x200, s19;
	s26 =	sshll.u32 s23, $0xA  }
0x26d: {  	[hbm4b:s29+s3] =	stream.linear.scatter [tilespmem:s28], [sflag:s10], $0x80, $0x38;
	[tilespmem:$0x1000] =	vst v63  }
0x26e: {  	s30 =	sor.u32 $0x500, s18;
	s31 =	sadd.s32 $0x280, s19;
	s14 =	sand.u32 $0xFFFFF800, s26  }
0x26f: {  	[hbm4b:s31+s3] =	stream.linear.scatter [tilespmem:s30], [sflag:s10], $0x80, $0x38;
	[tilespmem:$0x1000] =	vst v63  }
0x270: {  	s16 =	sor.u32 $0x600, s18;
	s17 =	sadd.s32 $0x300, s19;
	s13 =	sshll.u32 s23, $0x7  }
0x271: {  	[hbm4b:s17+s3] =	stream.linear.scatter [tilespmem:s16], [sflag:s10], $0x80, $0x38;
	[tilespmem:$0x1000] =	vst v63  }
0x272: {  	s0 =	sor.u32 $0x700, s18;
	s12 =	sadd.s32 $0x380, s19;
	s13 =	sand.u32 $0x80, s13  }
0x273: {  	[hbm4b:s12+s3] =	stream.linear.scatter [tilespmem:s0], [sflag:s10], $0x80, $0x38;
	[tilespmem:$0x1000] =	vst v63  }
0x274: {  	s19 =	sadd.s32 $0x100040, s11;
	s18 =	sor.u32 s13, s14  }
0x275: {  	[hbm4b:s19+s3] =	stream.linear.scatter [tilespmem:s18], [sflag:s10], $0x80, $0x38;
	[tilespmem:$0x1000] =	vst v63  }
0x276: {  	s20 =	sadd.s32 $0x80, s19;
	s13 =	sor.u32 $0x100, s18  }
0x277: {  	[hbm4b:s20+s3] =	stream.linear.scatter [tilespmem:s13], [sflag:s10], $0x80, $0x38;
	[tilespmem:$0x1000] =	vst v63  }
0x278: {  	s22 =	sadd.s32 $0x100, s19;
	s21 =	sor.u32 $0x200, s18  }
0x279: {  	[hbm4b:s22+s3] =	stream.linear.scatter [tilespmem:s21], [sflag:s10], $0x80, $0x38;
	[tilespmem:$0x1000] =	vst v63  }
0x27a: {  	s24 =	sor.u32 $0x300, s18;
	s25 =	sadd.s32 $0x180, s19;
	s23 =	spop (v2sf)  }
0x27b: {  	(v2sf) =	vpush v0, $0x6;
	[hbm4b:s25+s3] =	stream.linear.scatter [tilespmem:s24], [sflag:s10], $0x80, $0x38;
	[tilespmem:$0x1000] =	vst v63  }
0x27c: {  	s28 =	sor.u32 $0x400, s18;
	s29 =	sadd.s32 $0x200, s19;
	s26 =	sshll.u32 s23, $0xA  }
0x27d: {  	[hbm4b:s29+s3] =	stream.linear.scatter [tilespmem:s28], [sflag:s10], $0x80, $0x38;
	[tilespmem:$0x1000] =	vst v63  }
0x27e: {  	s30 =	sor.u32 $0x500, s18;
	s31 =	sadd.s32 $0x280, s19;
	s14 =	sand.u32 $0xFFFFF800, s26  }
0x27f: {  	[hbm4b:s31+s3] =	stream.linear.scatter [tilespmem:s30], [sflag:s10], $0x80, $0x38;
	[tilespmem:$0x1000] =	vst v63  }
0x280: {  	s16 =	sor.u32 $0x600, s18;
	s17 =	sadd.s32 $0x300, s19;
	s13 =	sshll.u32 s23, $0x7  }
0x281: {  	[hbm4b:s17+s3] =	stream.linear.scatter [tilespmem:s16], [sflag:s10], $0x80, $0x38;
	[tilespmem:$0x1000] =	vst v63  }
0x282: {  	s0 =	sor.u32 $0x700, s18;
	s12 =	sadd.s32 $0x380, s19;
	s13 =	sand.u32 $0x80, s13  }
0x283: {  	[hbm4b:s12+s3] =	stream.linear.scatter [tilespmem:s0], [sflag:s10], $0x80, $0x38;
	[tilespmem:$0x1000] =	vst v63  }
0x284: {  	s19 =	sadd.s32 $0x100050, s11;
	s18 =	sor.u32 s13, s14  }
0x285: {  	[hbm4b:s19+s3] =	stream.linear.scatter [tilespmem:s18], [sflag:s10], $0x80, $0x38;
	[tilespmem:$0x1000] =	vst v63  }
0x286: {  	s20 =	sadd.s32 $0x80, s19;
	s13 =	sor.u32 $0x100, s18  }
0x287: {  	[hbm4b:s20+s3] =	stream.linear.scatter [tilespmem:s13], [sflag:s10], $0x80, $0x38;
	[tilespmem:$0x1000] =	vst v63  }
0x288: {  	s22 =	sadd.s32 $0x100, s19;
	s21 =	sor.u32 $0x200, s18  }
0x289: {  	[hbm4b:s22+s3] =	stream.linear.scatter [tilespmem:s21], [sflag:s10], $0x80, $0x38;
	[tilespmem:$0x1000] =	vst v63  }
0x28a: {  	s24 =	sor.u32 $0x300, s18;
	s25 =	sadd.s32 $0x180, s19;
	s23 =	spop (v2sf)  }
0x28b: {  	(v2sf) =	vpush v0, $0x7;
	[hbm4b:s25+s3] =	stream.linear.scatter [tilespmem:s24], [sflag:s10], $0x80, $0x38;
	[tilespmem:$0x1000] =	vst v63  }
0x28c: {  	s26 =	sshll.u32 s23, $0xA;
	s28 =	sor.u32 $0x400, s18;
	s29 =	sadd.s32 $0x200, s19  }
0x28d: {  	[hbm4b:s29+s3] =	stream.linear.scatter [tilespmem:s28], [sflag:s10], $0x80, $0x38;
	[tilespmem:$0x1000] =	vst v63  }
0x28e: {  	s14 =	sand.u32 $0xFFFFF800, s26;
	s30 =	sor.u32 $0x500, s18;
	s31 =	sadd.s32 $0x280, s19  }
0x28f: {  	[hbm4b:s31+s3] =	stream.linear.scatter [tilespmem:s30], [sflag:s10], $0x80, $0x38;
	[tilespmem:$0x1000] =	vst v63  }
0x290: {  	s16 =	sor.u32 $0x600, s18;
	s17 =	sadd.s32 $0x300, s19;
	s13 =	sshll.u32 s23, $0x7  }
0x291: {  	[hbm4b:s17+s3] =	stream.linear.scatter [tilespmem:s16], [sflag:s10], $0x80, $0x38;
	[tilespmem:$0x1000] =	vst v63  }
0x292: {  	s0 =	sor.u32 $0x700, s18;
	s12 =	sadd.s32 $0x380, s19;
	s13 =	sand.u32 $0x80, s13  }
0x293: {  	[hbm4b:s12+s3] =	stream.linear.scatter [tilespmem:s0], [sflag:s10], $0x80, $0x38;
	[tilespmem:$0x1000] =	vst v63  }
0x294: {  	s19 =	sadd.s32 $0x100060, s11;
	s18 =	sor.u32 s13, s14  }
0x295: {  	[hbm4b:s19+s3] =	stream.linear.scatter [tilespmem:s18], [sflag:s10], $0x80, $0x38;
	[tilespmem:$0x1000] =	vst v63  }
0x296: {  	s20 =	sadd.s32 $0x80, s19;
	s13 =	sor.u32 $0x100, s18  }
0x297: {  	[hbm4b:s20+s3] =	stream.linear.scatter [tilespmem:s13], [sflag:s10], $0x80, $0x38;
	[tilespmem:$0x1000] =	vst v63  }
0x298: {  	s22 =	sadd.s32 $0x100, s19;
	s21 =	sor.u32 $0x200, s18  }
0x299: {  	[hbm4b:s22+s3] =	stream.linear.scatter [tilespmem:s21], [sflag:s10], $0x80, $0x38;
	[tilespmem:$0x1000] =	vst v63  }
0x29a: {  	s23 =	spop (v2sf);
	s24 =	sor.u32 $0x300, s18;
	s25 =	sadd.s32 $0x180, s19  }
0x29b: {  	(v2sf) =	vpush v0, $0x8;
	[hbm4b:s25+s3] =	stream.linear.scatter [tilespmem:s24], [sflag:s10], $0x80, $0x38;
	[tilespmem:$0x1000] =	vst v63  }
0x29c: {  	s26 =	sshll.u32 s23, $0xA;
	s28 =	sor.u32 $0x400, s18;
	s29 =	sadd.s32 $0x200, s19  }
0x29d: {  	[hbm4b:s29+s3] =	stream.linear.scatter [tilespmem:s28], [sflag:s10], $0x80, $0x38;
	[tilespmem:$0x1000] =	vst v63  }
0x29e: {  	s14 =	sand.u32 $0xFFFFF800, s26;
	s30 =	sor.u32 $0x500, s18;
	s31 =	sadd.s32 $0x280, s19  }
0x29f: {  	[hbm4b:s31+s3] =	stream.linear.scatter [tilespmem:s30], [sflag:s10], $0x80, $0x38;
	[tilespmem:$0x1000] =	vst v63  }
0x2a0: {  	s16 =	sor.u32 $0x600, s18;
	s17 =	sadd.s32 $0x300, s19;
	s13 =	sshll.u32 s23, $0x7  }
0x2a1: {  	[hbm4b:s17+s3] =	stream.linear.scatter [tilespmem:s16], [sflag:s10], $0x80, $0x38;
	[tilespmem:$0x1000] =	vst v63  }
0x2a2: {  	s0 =	sor.u32 $0x700, s18;
	s12 =	sadd.s32 $0x380, s19;
	s13 =	sand.u32 $0x80, s13  }
0x2a3: {  	[hbm4b:s12+s3] =	stream.linear.scatter [tilespmem:s0], [sflag:s10], $0x80, $0x38;
	[tilespmem:$0x1000] =	vst v63  }
0x2a4: {  	s19 =	sadd.s32 $0x100070, s11;
	s18 =	sor.u32 s13, s14  }
0x2a5: {  	[hbm4b:s19+s3] =	stream.linear.scatter [tilespmem:s18], [sflag:s10], $0x80, $0x38;
	[tilespmem:$0x1000] =	vst v63  }
0x2a6: {  	s20 =	sadd.s32 $0x80, s19;
	s13 =	sor.u32 $0x100, s18  }
0x2a7: {  	[hbm4b:s20+s3] =	stream.linear.scatter [tilespmem:s13], [sflag:s10], $0x80, $0x38;
	[tilespmem:$0x1000] =	vst v63  }
0x2a8: {  	s22 =	sadd.s32 $0x100, s19;
	s21 =	sor.u32 $0x200, s18  }
0x2a9: {  	[hbm4b:s22+s3] =	stream.linear.scatter [tilespmem:s21], [sflag:s10], $0x80, $0x38;
	[tilespmem:$0x1000] =	vst v63  }
0x2aa: {  	s23 =	spop (v2sf);
	s24 =	sor.u32 $0x300, s18;
	s25 =	sadd.s32 $0x180, s19  }
0x2ab: {  	(v2sf) =	vpush v0, $0x9;
	[hbm4b:s25+s3] =	stream.linear.scatter [tilespmem:s24], [sflag:s10], $0x80, $0x38;
	[tilespmem:$0x1000] =	vst v63  }
0x2ac: {  	s26 =	sshll.u32 s23, $0xA;
	s28 =	sor.u32 $0x400, s18;
	s29 =	sadd.s32 $0x200, s19  }
0x2ad: {  	[hbm4b:s29+s3] =	stream.linear.scatter [tilespmem:s28], [sflag:s10], $0x80, $0x38;
	[tilespmem:$0x1000] =	vst v63  }
0x2ae: {  	s14 =	sand.u32 $0xFFFFF800, s26;
	s30 =	sor.u32 $0x500, s18;
	s31 =	sadd.s32 $0x280, s19  }
0x2af: {  	[hbm4b:s31+s3] =	stream.linear.scatter [tilespmem:s30], [sflag:s10], $0x80, $0x38;
	[tilespmem:$0x1000] =	vst v63  }
0x2b0: {  	s16 =	sor.u32 $0x600, s18;
	s17 =	sadd.s32 $0x300, s19;
	s13 =	sshll.u32 s23, $0x7  }
0x2b1: {  	[hbm4b:s17+s3] =	stream.linear.scatter [tilespmem:s16], [sflag:s10], $0x80, $0x38;
	[tilespmem:$0x1000] =	vst v63  }
0x2b2: {  	s0 =	sor.u32 $0x700, s18;
	s12 =	sadd.s32 $0x380, s19;
	s13 =	sand.u32 $0x80, s13  }
0x2b3: {  	[hbm4b:s12+s3] =	stream.linear.scatter [tilespmem:s0], [sflag:s10], $0x80, $0x38;
	[tilespmem:$0x1000] =	vst v63  }
0x2b4: {  	s19 =	sadd.s32 $0x100400, s11;
	s18 =	sor.u32 s13, s14  }
0x2b5: {  	[hbm4b:s19+s3] =	stream.linear.scatter [tilespmem:s18], [sflag:s10], $0x80, $0x38;
	[tilespmem:$0x1000] =	vst v63  }
0x2b6: {  	s20 =	sadd.s32 $0x80, s19;
	s13 =	sor.u32 $0x100, s18  }
0x2b7: {  	[hbm4b:s20+s3] =	stream.linear.scatter [tilespmem:s13], [sflag:s10], $0x80, $0x38;
	[tilespmem:$0x1000] =	vst v63  }
0x2b8: {  	s22 =	sadd.s32 $0x100, s19;
	s21 =	sor.u32 $0x200, s18  }
0x2b9: {  	[hbm4b:s22+s3] =	stream.linear.scatter [tilespmem:s21], [sflag:s10], $0x80, $0x38;
	[tilespmem:$0x1000] =	vst v63  }
0x2ba: {  	s23 =	spop (v2sf);
	s24 =	sor.u32 $0x300, s18;
	s25 =	sadd.s32 $0x180, s19  }
0x2bb: {  	(v2sf) =	vpush v0, $0xA;
	[hbm4b:s25+s3] =	stream.linear.scatter [tilespmem:s24], [sflag:s10], $0x80, $0x38;
	[tilespmem:$0x1000] =	vst v63  }
0x2bc: {  	s26 =	sshll.u32 s23, $0xA;
	s28 =	sor.u32 $0x400, s18;
	s29 =	sadd.s32 $0x200, s19  }
0x2bd: {  	[hbm4b:s29+s3] =	stream.linear.scatter [tilespmem:s28], [sflag:s10], $0x80, $0x38;
	[tilespmem:$0x1000] =	vst v63  }
0x2be: {  	s14 =	sand.u32 $0xFFFFF800, s26;
	s30 =	sor.u32 $0x500, s18;
	s31 =	sadd.s32 $0x280, s19  }
0x2bf: {  	[hbm4b:s31+s3] =	stream.linear.scatter [tilespmem:s30], [sflag:s10], $0x80, $0x38;
	[tilespmem:$0x1000] =	vst v63  }
0x2c0: {  	s16 =	sor.u32 $0x600, s18;
	s17 =	sadd.s32 $0x300, s19;
	s13 =	sshll.u32 s23, $0x7  }
0x2c1: {  	[hbm4b:s17+s3] =	stream.linear.scatter [tilespmem:s16], [sflag:s10], $0x80, $0x38;
	[tilespmem:$0x1000] =	vst v63  }
0x2c2: {  	s0 =	sor.u32 $0x700, s18;
	s12 =	sadd.s32 $0x380, s19;
	s13 =	sand.u32 $0x80, s13  }
0x2c3: {  	[hbm4b:s12+s3] =	stream.linear.scatter [tilespmem:s0], [sflag:s10], $0x80, $0x38;
	[tilespmem:$0x1000] =	vst v63  }
0x2c4: {  	s19 =	sadd.s32 $0x100410, s11;
	s18 =	sor.u32 s13, s14  }
0x2c5: {  	[hbm4b:s19+s3] =	stream.linear.scatter [tilespmem:s18], [sflag:s10], $0x80, $0x38;
	[tilespmem:$0x1000] =	vst v63  }
0x2c6: {  	s20 =	sadd.s32 $0x80, s19;
	s13 =	sor.u32 $0x100, s18  }
0x2c7: {  	[hbm4b:s20+s3] =	stream.linear.scatter [tilespmem:s13], [sflag:s10], $0x80, $0x38;
	[tilespmem:$0x1000] =	vst v63  }
0x2c8: {  	s22 =	sadd.s32 $0x100, s19;
	s21 =	sor.u32 $0x200, s18  }
0x2c9: {  	[hbm4b:s22+s3] =	stream.linear.scatter [tilespmem:s21], [sflag:s10], $0x80, $0x38;
	[tilespmem:$0x1000] =	vst v63  }
0x2ca: {  	s23 =	spop (v2sf);
	s24 =	sor.u32 $0x300, s18;
	s25 =	sadd.s32 $0x180, s19  }
0x2cb: {  	(v2sf) =	vpush v0, $0xB;
	[hbm4b:s25+s3] =	stream.linear.scatter [tilespmem:s24], [sflag:s10], $0x80, $0x38;
	[tilespmem:$0x1000] =	vst v63  }
0x2cc: {  	s26 =	sshll.u32 s23, $0xA;
	s28 =	sor.u32 $0x400, s18;
	s29 =	sadd.s32 $0x200, s19  }
0x2cd: {  	[hbm4b:s29+s3] =	stream.linear.scatter [tilespmem:s28], [sflag:s10], $0x80, $0x38;
	[tilespmem:$0x1000] =	vst v63  }
0x2ce: {  	s14 =	sand.u32 $0xFFFFF800, s26;
	s30 =	sor.u32 $0x500, s18;
	s31 =	sadd.s32 $0x280, s19  }
0x2cf: {  	[hbm4b:s31+s3] =	stream.linear.scatter [tilespmem:s30], [sflag:s10], $0x80, $0x38;
	[tilespmem:$0x1000] =	vst v63  }
0x2d0: {  	s16 =	sor.u32 $0x600, s18;
	s17 =	sadd.s32 $0x300, s19;
	s13 =	sshll.u32 s23, $0x7  }
0x2d1: {  	[hbm4b:s17+s3] =	stream.linear.scatter [tilespmem:s16], [sflag:s10], $0x80, $0x38;
	[tilespmem:$0x1000] =	vst v63  }
0x2d2: {  	s0 =	sor.u32 $0x700, s18;
	s12 =	sadd.s32 $0x380, s19;
	s13 =	sand.u32 $0x80, s13  }
0x2d3: {  	[hbm4b:s12+s3] =	stream.linear.scatter [tilespmem:s0], [sflag:s10], $0x80, $0x38;
	[tilespmem:$0x1000] =	vst v63  }
0x2d4: {  	s19 =	sadd.s32 $0x100420, s11;
	s18 =	sor.u32 s13, s14  }
0x2d5: {  	[hbm4b:s19+s3] =	stream.linear.scatter [tilespmem:s18], [sflag:s10], $0x80, $0x38;
	[tilespmem:$0x1000] =	vst v63  }
0x2d6: {  	s20 =	sadd.s32 $0x80, s19;
	s13 =	sor.u32 $0x100, s18  }
0x2d7: {  	[hbm4b:s20+s3] =	stream.linear.scatter [tilespmem:s13], [sflag:s10], $0x80, $0x38;
	[tilespmem:$0x1000] =	vst v63  }
0x2d8: {  	s22 =	sadd.s32 $0x100, s19;
	s21 =	sor.u32 $0x200, s18  }
0x2d9: {  	[hbm4b:s22+s3] =	stream.linear.scatter [tilespmem:s21], [sflag:s10], $0x80, $0x38;
	[tilespmem:$0x1000] =	vst v63  }
0x2da: {  	s23 =	spop (v2sf);
	s24 =	sor.u32 $0x300, s18;
	s25 =	sadd.s32 $0x180, s19  }
0x2db: {  	(v2sf) =	vpush v0, $0xC;
	[hbm4b:s25+s3] =	stream.linear.scatter [tilespmem:s24], [sflag:s10], $0x80, $0x38;
	[tilespmem:$0x1000] =	vst v63  }
0x2dc: {  	s26 =	sshll.u32 s23, $0xA;
	s28 =	sor.u32 $0x400, s18;
	s29 =	sadd.s32 $0x200, s19  }
0x2dd: {  	[hbm4b:s29+s3] =	stream.linear.scatter [tilespmem:s28], [sflag:s10], $0x80, $0x38;
	[tilespmem:$0x1000] =	vst v63  }
0x2de: {  	s14 =	sand.u32 $0xFFFFF800, s26;
	s30 =	sor.u32 $0x500, s18;
	s31 =	sadd.s32 $0x280, s19  }
0x2df: {  	[hbm4b:s31+s3] =	stream.linear.scatter [tilespmem:s30], [sflag:s10], $0x80, $0x38;
	[tilespmem:$0x1000] =	vst v63  }
0x2e0: {  	s16 =	sor.u32 $0x600, s18;
	s17 =	sadd.s32 $0x300, s19;
	s13 =	sshll.u32 s23, $0x7  }
0x2e1: {  	[hbm4b:s17+s3] =	stream.linear.scatter [tilespmem:s16], [sflag:s10], $0x80, $0x38;
	[tilespmem:$0x1000] =	vst v63  }
0x2e2: {  	s0 =	sor.u32 $0x700, s18;
	s12 =	sadd.s32 $0x380, s19;
	s13 =	sand.u32 $0x80, s13  }
0x2e3: {  	[hbm4b:s12+s3] =	stream.linear.scatter [tilespmem:s0], [sflag:s10], $0x80, $0x38;
	[tilespmem:$0x1000] =	vst v63  }
0x2e4: {  	s19 =	sadd.s32 $0x100430, s11;
	s18 =	sor.u32 s13, s14  }
0x2e5: {  	[hbm4b:s19+s3] =	stream.linear.scatter [tilespmem:s18], [sflag:s10], $0x80, $0x38;
	[tilespmem:$0x1000] =	vst v63  }
0x2e6: {  	s20 =	sadd.s32 $0x80, s19;
	s13 =	sor.u32 $0x100, s18  }
0x2e7: {  	[hbm4b:s20+s3] =	stream.linear.scatter [tilespmem:s13], [sflag:s10], $0x80, $0x38;
	[tilespmem:$0x1000] =	vst v63  }
0x2e8: {  	s22 =	sadd.s32 $0x100, s19;
	s21 =	sor.u32 $0x200, s18  }
0x2e9: {  	[hbm4b:s22+s3] =	stream.linear.scatter [tilespmem:s21], [sflag:s10], $0x80, $0x38;
	[tilespmem:$0x1000] =	vst v63  }
0x2ea: {  	s23 =	spop (v2sf);
	s24 =	sor.u32 $0x300, s18;
	s25 =	sadd.s32 $0x180, s19  }
0x2eb: {  	(v2sf) =	vpush v0, $0xD;
	[hbm4b:s25+s3] =	stream.linear.scatter [tilespmem:s24], [sflag:s10], $0x80, $0x38;
	[tilespmem:$0x1000] =	vst v63  }
0x2ec: {  	s26 =	sshll.u32 s23, $0xA;
	s28 =	sor.u32 $0x400, s18;
	s29 =	sadd.s32 $0x200, s19  }
0x2ed: {  	[hbm4b:s29+s3] =	stream.linear.scatter [tilespmem:s28], [sflag:s10], $0x80, $0x38;
	[tilespmem:$0x1000] =	vst v63  }
0x2ee: {  	s14 =	sand.u32 $0xFFFFF800, s26;
	s30 =	sor.u32 $0x500, s18;
	s31 =	sadd.s32 $0x280, s19  }
0x2ef: {  	[hbm4b:s31+s3] =	stream.linear.scatter [tilespmem:s30], [sflag:s10], $0x80, $0x38;
	[tilespmem:$0x1000] =	vst v63  }
0x2f0: {  	s16 =	sor.u32 $0x600, s18;
	s17 =	sadd.s32 $0x300, s19;
	s13 =	sshll.u32 s23, $0x7  }
0x2f1: {  	[hbm4b:s17+s3] =	stream.linear.scatter [tilespmem:s16], [sflag:s10], $0x80, $0x38;
	[tilespmem:$0x1000] =	vst v63  }
0x2f2: {  	s0 =	sor.u32 $0x700, s18;
	s12 =	sadd.s32 $0x380, s19;
	s13 =	sand.u32 $0x80, s13  }
0x2f3: {  	[hbm4b:s12+s3] =	stream.linear.scatter [tilespmem:s0], [sflag:s10], $0x80, $0x38;
	[tilespmem:$0x1000] =	vst v63  }
0x2f4: {  	s19 =	sadd.s32 $0x100440, s11;
	s18 =	sor.u32 s13, s14  }
0x2f5: {  	[hbm4b:s19+s3] =	stream.linear.scatter [tilespmem:s18], [sflag:s10], $0x80, $0x38;
	[tilespmem:$0x1000] =	vst v63  }
0x2f6: {  	s20 =	sadd.s32 $0x80, s19;
	s13 =	sor.u32 $0x100, s18  }
0x2f7: {  	[hbm4b:s20+s3] =	stream.linear.scatter [tilespmem:s13], [sflag:s10], $0x80, $0x38;
	[tilespmem:$0x1000] =	vst v63  }
0x2f8: {  	s22 =	sadd.s32 $0x100, s19;
	s21 =	sor.u32 $0x200, s18  }
0x2f9: {  	[hbm4b:s22+s3] =	stream.linear.scatter [tilespmem:s21], [sflag:s10], $0x80, $0x38;
	[tilespmem:$0x1000] =	vst v63  }
0x2fa: {  	s23 =	spop (v2sf);
	s24 =	sor.u32 $0x300, s18;
	s25 =	sadd.s32 $0x180, s19  }
0x2fb: {  	(v2sf) =	vpush v0, $0xE;
	[hbm4b:s25+s3] =	stream.linear.scatter [tilespmem:s24], [sflag:s10], $0x80, $0x38;
	[tilespmem:$0x1000] =	vst v63  }
0x2fc: {  	s26 =	sshll.u32 s23, $0xA;
	s28 =	sor.u32 $0x400, s18;
	s29 =	sadd.s32 $0x200, s19  }
0x2fd: {  	[hbm4b:s29+s3] =	stream.linear.scatter [tilespmem:s28], [sflag:s10], $0x80, $0x38;
	[tilespmem:$0x1000] =	vst v63  }
0x2fe: {  	s14 =	sand.u32 $0xFFFFF800, s26;
	s30 =	sor.u32 $0x500, s18;
	s31 =	sadd.s32 $0x280, s19  }
0x2ff: {  	[hbm4b:s31+s3] =	stream.linear.scatter [tilespmem:s30], [sflag:s10], $0x80, $0x38;
	[tilespmem:$0x1000] =	vst v63  }
0x300: {  	s16 =	sor.u32 $0x600, s18;
	s17 =	sadd.s32 $0x300, s19;
	s13 =	sshll.u32 s23, $0x7  }
0x301: {  	[hbm4b:s17+s3] =	stream.linear.scatter [tilespmem:s16], [sflag:s10], $0x80, $0x38;
	[tilespmem:$0x1000] =	vst v63  }
0x302: {  	s0 =	sor.u32 $0x700, s18;
	s12 =	sadd.s32 $0x380, s19;
	s13 =	sand.u32 $0x80, s13  }
0x303: {  	[hbm4b:s12+s3] =	stream.linear.scatter [tilespmem:s0], [sflag:s10], $0x80, $0x38;
	[tilespmem:$0x1000] =	vst v63  }
0x304: {  	s19 =	sadd.s32 $0x100450, s11;
	s18 =	sor.u32 s13, s14  }
0x305: {  	[hbm4b:s19+s3] =	stream.linear.scatter [tilespmem:s18], [sflag:s10], $0x80, $0x38;
	[tilespmem:$0x1000] =	vst v63  }
0x306: {  	s20 =	sadd.s32 $0x80, s19;
	s13 =	sor.u32 $0x100, s18  }
0x307: {  	[hbm4b:s20+s3] =	stream.linear.scatter [tilespmem:s13], [sflag:s10], $0x80, $0x38;
	[tilespmem:$0x1000] =	vst v63  }
0x308: {  	s22 =	sadd.s32 $0x100, s19;
	s21 =	sor.u32 $0x200, s18  }
0x309: {  	[hbm4b:s22+s3] =	stream.linear.scatter [tilespmem:s21], [sflag:s10], $0x80, $0x38;
	[tilespmem:$0x1000] =	vst v63  }
0x30a: {  	s23 =	spop (v2sf);
	s24 =	sor.u32 $0x300, s18;
	s25 =	sadd.s32 $0x180, s19  }
0x30b: {  	(v2sf) =	vpush v0, $0xF;
	[hbm4b:s25+s3] =	stream.linear.scatter [tilespmem:s24], [sflag:s10], $0x80, $0x38;
	[tilespmem:$0x1000] =	vst v63  }
0x30c: {  	s26 =	sshll.u32 s23, $0xA;
	s28 =	sor.u32 $0x400, s18;
	s29 =	sadd.s32 $0x200, s19  }
0x30d: {  	[hbm4b:s29+s3] =	stream.linear.scatter [tilespmem:s28], [sflag:s10], $0x80, $0x38;
	[tilespmem:$0x1000] =	vst v63  }
0x30e: {  	s14 =	sand.u32 $0xFFFFF800, s26;
	s30 =	sor.u32 $0x500, s18;
	s31 =	sadd.s32 $0x280, s19  }
0x30f: {  	[hbm4b:s31+s3] =	stream.linear.scatter [tilespmem:s30], [sflag:s10], $0x80, $0x38;
	[tilespmem:$0x1000] =	vst v63  }
0x310: {  	s16 =	sor.u32 $0x600, s18;
	s17 =	sadd.s32 $0x300, s19;
	s13 =	sshll.u32 s23, $0x7  }
0x311: {  	[hbm4b:s17+s3] =	stream.linear.scatter [tilespmem:s16], [sflag:s10], $0x80, $0x38;
	[tilespmem:$0x1000] =	vst v63  }
0x312: {  	s0 =	sor.u32 $0x700, s18;
	s12 =	sadd.s32 $0x380, s19;
	s13 =	sand.u32 $0x80, s13  }
0x313: {  	[hbm4b:s12+s3] =	stream.linear.scatter [tilespmem:s0], [sflag:s10], $0x80, $0x38;
	[tilespmem:$0x1000] =	vst v63  }
0x314: {  	s19 =	sadd.s32 $0x100460, s11;
	s18 =	sor.u32 s13, s14  }
0x315: {  	[hbm4b:s19+s3] =	stream.linear.scatter [tilespmem:s18], [sflag:s10], $0x80, $0x38;
	[tilespmem:$0x1000] =	vst v63  }
0x316: {  	s20 =	sadd.s32 $0x80, s19;
	s13 =	sor.u32 $0x100, s18  }
0x317: {  	[hbm4b:s20+s3] =	stream.linear.scatter [tilespmem:s13], [sflag:s10], $0x80, $0x38;
	[tilespmem:$0x1000] =	vst v63  }
0x318: {  	s22 =	sadd.s32 $0x100, s19;
	s21 =	sor.u32 $0x200, s18  }
0x319: {  	[hbm4b:s22+s3] =	stream.linear.scatter [tilespmem:s21], [sflag:s10], $0x80, $0x38;
	[tilespmem:$0x1000] =	vst v63  }
0x31a: {  	s23 =	spop (v2sf);
	s24 =	sor.u32 $0x300, s18;
	s25 =	sadd.s32 $0x180, s19  }
0x31b: {  	[hbm4b:s25+s3] =	stream.linear.scatter [tilespmem:s24], [sflag:s10], $0x80, $0x38;
	[tilespmem:$0x1000] =	vst v63  }
0x31c: {  	s26 =	sshll.u32 s23, $0xA;
	s28 =	sor.u32 $0x400, s18;
	s29 =	sadd.s32 $0x200, s19  }
0x31d: {  	[hbm4b:s29+s3] =	stream.linear.scatter [tilespmem:s28], [sflag:s10], $0x80, $0x38;
	[tilespmem:$0x1000] =	vst v63  }
0x31e: {  	s14 =	sand.u32 $0xFFFFF800, s26;
	s30 =	sor.u32 $0x500, s18;
	s31 =	sadd.s32 $0x280, s19  }
0x31f: {  	[hbm4b:s31+s3] =	stream.linear.scatter [tilespmem:s30], [sflag:s10], $0x80, $0x38;
	[tilespmem:$0x1000] =	vst v63  }
0x320: {  	s16 =	sor.u32 $0x600, s18;
	s17 =	sadd.s32 $0x300, s19;
	s13 =	sshll.u32 s23, $0x7  }
0x321: {  	[hbm4b:s17+s3] =	stream.linear.scatter [tilespmem:s16], [sflag:s10], $0x80, $0x38;
	[tilespmem:$0x1000] =	vst v63  }
0x322: {  	s12 =	sadd.s32 $0x380, s19;
	s0 =	sor.u32 $0x700, s18;
	s13 =	sand.u32 $0x80, s13  }
0x323: {  	[hbm4b:s12+s3] =	stream.linear.scatter [tilespmem:s0], [sflag:s10], $0x80, $0x38;
	[tilespmem:$0x1000] =	vst v63  }
0x324: {  	s11 =	sadd.s32 $0x100470, s11;
	s18 =	sor.u32 s13, s14  }
0x325: {  	[hbm4b:s11+s3] =	stream.linear.scatter [tilespmem:s18], [sflag:s10], $0x80, $0x38;
	[tilespmem:$0x1000] =	vst v63  }
0x326: {  	s20 =	sadd.s32 $0x80, s11;
	s19 =	sor.u32 $0x100, s18  }
0x327: {  	[hbm4b:s20+s3] =	stream.linear.scatter [tilespmem:s19], [sflag:s10], $0x80, $0x38;
	[tilespmem:$0x1000] =	vst v63  }
0x328: {  	s22 =	sadd.s32 $0x100, s11;
	s21 =	sor.u32 $0x200, s18  }
0x329: {  	[hbm4b:s22+s3] =	stream.linear.scatter [tilespmem:s21], [sflag:s10], $0x80, $0x38;
	[tilespmem:$0x1000] =	vst v63  }
0x32a: {  	s23 =	sor.u32 $0x300, s18;
	s24 =	sadd.s32 $0x180, s11  }
0x32b: {  	[hbm4b:s24+s3] =	stream.linear.scatter [tilespmem:s23], [sflag:s10], $0x80, $0x38;
	[tilespmem:$0x1000] =	vst v63  }
0x32c: {  	s26 =	sadd.s32 $0x200, s11;
	s25 =	sor.u32 $0x400, s18  }
0x32d: {  	[hbm4b:s26+s3] =	stream.linear.scatter [tilespmem:s25], [sflag:s10], $0x80, $0x38;
	[tilespmem:$0x1000] =	vst v63  }
0x32e: {  	s28 =	sor.u32 $0x500, s18;
	s29 =	sadd.s32 $0x280, s11  }
0x32f: {  	[hbm4b:s29+s3] =	stream.linear.scatter [tilespmem:s28], [sflag:s10], $0x80, $0x38;
	[tilespmem:$0x1000] =	vst v63  }
0x330: {  	s30 =	sor.u32 $0x600, s18;
	s31 =	sadd.s32 $0x300, s11  }
0x331: {  	[hbm4b:s31+s3] =	stream.linear.scatter [tilespmem:s30], [sflag:s10], $0x80, $0x38;
	[tilespmem:$0x1000] =	vst v63  }
0x332: {  	s9 =	sadd.s32 $0x1, s9;
	s0 =	sor.u32 $0x700, s18;
	s11 =	sadd.s32 $0x380, s11  }
0x333: {  	[hbm4b:s11+s3] =	stream.linear.scatter [tilespmem:s0], [sflag:s10], $0x80, $0x38;
	[tilespmem:$0x1000] =	vst v63  }
0x334: {  	p0 =	sne.s32 s9, s5;
	_ =	swait.ge [sflag:s7], $0x4000  }
.Ltmp1:
0x335: {  	[sflag:s7] =	ssyncset.done $0x0;
	(pc) =	sbr.rel @p0 .LBB2_1-.Ltmp1, $4  }
0x336: {  	[sflag:s7] =	ssyncadd.s32 $0xFFFFC000  }
0x337: {  	_ =	swait.ge [sflag:s8], $0x4000  }
0x338: {  	[sflag:s8] =	ssyncset.done $0x0  }
0x339: {  	[sflag:s8] =	ssyncadd.s32 $0xFFFFC000  }
0x33a: {  	_ =	sfence.sel $0x180000  }
0x33b: {  	[bflag:$0x0] =	sbarrier.arrive $0xFFFF  }
0x33c: {  	_ =	strace $0x90000047  }
0x33d: {  	[bflag:$0x2] =	sbarrier.arrive $0xFFFF  }
0x33e: {  	p0 =	sne.s32 s2, $0x0;
	s0 =	rddreg [dreg:$0x3]  }
0x33f: {  	s0 =	sadd.s32 @!p0 $0x100000, s0  }
0x340: {  	[sflag:s0] =	ssyncadd.tile.s32 @!p0 $0x1;
	_ =	shalt  }
.Lfunc_end2:
_tile_overlayer_lowered:
.L_overlay_start_2:
0x341: {  	(tag) =	ssettag $0x2  }
0x342: {  	s0 =	rddreg [dreg:$0x0];
	s2 =	stileid.u32  }
0x343: {  	s1 =	rddreg [dreg:$0x1];
	p0 =	sne.s32 s2, $0x0  }
0x344: {  	s3 =	rddreg [dreg:$0x2];
	[bflag:$0x3] =	sbarrier.arrive $0xFFFF;
	s2 =	simm.s32 @!p0 $0x1C03  }
0x345: {  	[timem:s3], [sflag:s2] =	dma.local @!p0 [hbm:s0], s1  }
0x346: {  	s0 =	simm.s32 @!p0 $0x3  }
0x347: {  	_ =	swait.ge @!p0 [sflag:s0], s1  }
0x348: {  	s1 =	ssub.s32 @!p0 $0x0, s1;
	[sflag:s0] =	ssyncset.done @!p0 $0x0  }
0x349: {  	[sflag:s0] =	ssyncadd.s32 @!p0 s1  }
0x34a: {  	[bflag:$0x3] =	sbarrier.arrive $0xFFFF  }
0x34b: {  	_ =	shalt  }

</sc_bundles>
